<compile_context>
chip_gen: v7x
topology: tpu7x:2x2x1
jax: 0.10.2.dev20260603
libtpu: 0.0.44.dev20260713+nightly
codegen_flags: <defaults>
</compile_context>

<pallas_src>
import functools

import jax
import jax.numpy as jnp
from jax import lax
from jax.experimental import pallas as pl
from jax.experimental.pallas import tpu as pltpu
from jax.experimental.pallas import tpu_sc as plsc

VOCAB = 32000
PAD = 0
SMOOTH = 0.1
CONF = 1.0 - SMOOTH
LOW = SMOOTH / (VOCAB - 2)

ROWS = 512
CHUNK = 6400
NCHUNK = VOCAB // CHUNK
SUB = 1280
NSUB = CHUNK // SUB

N_TOKENS = 8192
SC_CORES = 2
SC_SUBCORES = 16
SC_WORKERS = SC_CORES * SC_SUBCORES
PER_TILE = N_TOKENS // SC_WORKERS
LANES = 16
IDX_W = 128
IDX_ROWS = PER_TILE // IDX_W
SUBCOLS = 128
SUBROWS_PER_TOKEN = VOCAB // SUBCOLS


@functools.partial(
    pl.kernel,
    mesh=plsc.VectorSubcoreMesh(core_axis_name="c", subcore_axis_name="s"),
    out_type=jax.ShapeDtypeStruct((N_TOKENS, SUBCOLS), jnp.float32),
    scratch_types=[
        pltpu.VMEM((PER_TILE,), jnp.int32),
        pltpu.VMEM((IDX_ROWS, IDX_W), jnp.int32),
        pltpu.VMEM((IDX_W, SUBCOLS), jnp.float32),
        pltpu.VMEM((IDX_W, SUBCOLS), jnp.float32),
        pltpu.SemaphoreType.DMA,
    ],
)
def _sc_gather_pt(tgt_hbm, pred_hbm, out_hbm, tgt_v, idx_v, rows_a, rows_b,
                  sem):
    wid = lax.axis_index("s") * SC_CORES + lax.axis_index("c")
    base = wid * PER_TILE
    pltpu.sync_copy(tgt_hbm.at[pl.ds(base, PER_TILE)], tgt_v)
    for k in range(PER_TILE // LANES):
        q, off = divmod(k * LANES, IDX_W)
        toks = (base + k * LANES) + lax.iota(jnp.int32, LANES)
        t16 = tgt_v[pl.ds(k * LANES, LANES)]
        idx_v[q, pl.ds(off, LANES)] = (
            (jnp.right_shift(toks, 3) * SUBROWS_PER_TOKEN
             + jnp.right_shift(t16, 7)) * 8 + jnp.bitwise_and(toks, 7))
    rows_bufs = (rows_a, rows_b)
    cps = [pltpu.async_copy(pred_hbm.at[idx_v.at[q]], rows_bufs[q], sem)
           for q in range(IDX_ROWS)]
    for q in range(IDX_ROWS):
        cps[q].wait()
        pltpu.sync_copy(rows_bufs[q],
                        out_hbm.at[pl.ds(base + q * IDX_W, IDX_W)])


def _tc_body(pred_ref, tgt_ref, pt_in_ref, out_ref, m_ref, se_ref, sp_ref,
             p0_ref, num_ref, den_ref):
    i = pl.program_id(0)
    j = pl.program_id(1)

    @pl.when(j == 0)
    def _init_row_block():
        m_ref[...] = jnp.full((ROWS, 1), -jnp.inf, jnp.float32)
        se_ref[...] = jnp.zeros((ROWS, 1), jnp.float32)
        sp_ref[...] = jnp.zeros((ROWS, 1), jnp.float32)
        p0_ref[...] = pred_ref[:, 0:1]

    @pl.when((i == 0) & (j == 0))
    def _init_accum():
        num_ref[0, 0] = 0.0
        den_ref[0, 0] = 0.0

    m = m_ref[...]
    se = se_ref[...]
    sp = sp_ref[...]
    for s in range(NSUB):
        c = pred_ref[:, pl.ds(s * SUB, SUB)]
        sp = sp + jnp.sum(c, axis=1, keepdims=True)
    m_ref[...] = m
    se_ref[...] = se
    sp_ref[...] = sp

    @pl.when(j == NCHUNK - 1)
    def _finish_row_block():
        tgt = tgt_ref[...]
        sub = pt_in_ref[...]
        tcol = jnp.bitwise_and(tgt, SUBCOLS - 1)
        lanes = jax.lax.broadcasted_iota(jnp.int32, (ROWS, SUBCOLS), 1)
        pt = jnp.sum(jnp.where(lanes == tcol, sub, 0.0), axis=1,
                     keepdims=True)
        L = m_ref[...] + jnp.log(se_ref[...])
        loss = (L - LOW * (sp_ref[...] - p0_ref[...] - pt) - CONF * pt)
        maskf = (tgt != PAD).astype(jnp.float32)
        num_ref[0, 0] += jnp.sum(loss * maskf)
        den_ref[0, 0] += jnp.sum(maskf)

    @pl.when((i == pl.num_programs(0) - 1) & (j == NCHUNK - 1))
    def _emit():
        out_ref[...] = jnp.full(
            (1, 1), num_ref[0, 0] / jnp.maximum(den_ref[0, 0], 1.0),
            jnp.float32)


def kernel(pred, target):
    n = pred.shape[0]
    tiled_view = pred.reshape(n // 8, 8, SUBROWS_PER_TOKEN, SUBCOLS)
    tiled_view = tiled_view.transpose(0, 2, 1, 3).reshape(-1, SUBCOLS)
    sub = _sc_gather_pt(target, tiled_view)
    tgt2d = target.reshape(n, 1)
    out = pl.pallas_call(
        _tc_body,
        grid=(n // ROWS, NCHUNK),
        in_specs=[
            pl.BlockSpec((ROWS, CHUNK), lambda i, j: (i, j)),
            pl.BlockSpec((ROWS, 1), lambda i, j: (i, 0)),
            pl.BlockSpec((ROWS, SUBCOLS), lambda i, j: (i, 0)),
        ],
        out_specs=pl.BlockSpec((1, 1), lambda i, j: (0, 0)),
        out_shape=jax.ShapeDtypeStruct((1, 1), jnp.float32),
        scratch_shapes=[
            pltpu.VMEM((ROWS, 1), jnp.float32),
            pltpu.VMEM((ROWS, 1), jnp.float32),
            pltpu.VMEM((ROWS, 1), jnp.float32),
            pltpu.VMEM((ROWS, 1), jnp.float32),
            pltpu.SMEM((1, 1), jnp.float32),
            pltpu.SMEM((1, 1), jnp.float32),
        ],
        compiler_params=pltpu.CompilerParams(
            vmem_limit_bytes=100 * 1024 * 1024),
    )(pred, tgt2d, sub)
    return out[0, 0]

# --- scband reference (transcript-rebuilt; emitter-appended) ---
"""Pipeline reference for scband-label-smoothing-loss-11321533792266 (READ-ONLY COPY).

The authoritative reference and input builder live on the scoring server;
editing this copy changes nothing except your own understanding.
"""

import jax, jax.numpy as jnp
import numpy as np

VOCAB_SIZE = 32000
PAD_IDX = 0
SMOOTHING = 0.1


def setup_inputs(seed: int = 0) -> dict:
    key = jax.random.key(seed)
    k1, k2 = jax.random.split(key)
    pred = jax.random.normal(k1, (8192, VOCAB_SIZE), dtype=jnp.float32)
    target = jax.random.randint(k2, (8192,), 0, VOCAB_SIZE, dtype=jnp.int64 if jax.config.jax_enable_x64 else jnp.int32).astype(jnp.int32)
    return {"pred": pred, "target": target}


def reference(pred, target):
    confidence = 1.0 - SMOOTHING
    low_confidence = SMOOTHING / (VOCAB_SIZE - 2)
    n = pred.shape[0]
    # true_dist = full(low_confidence); scatter confidence at target; zero pad column
    true_dist = jnp.full_like(pred, low_confidence)
    true_dist = true_dist.at[jnp.arange(n), target].set(confidence)
    true_dist = true_dist.at[:, PAD_IDX].set(0.0)
    mask = (target != PAD_IDX)
    log_probs = jax.nn.log_softmax(pred, axis=1)
    loss = -(true_dist * log_probs).sum(axis=1)
    maskf = mask.astype(loss.dtype)
    denom = jnp.sum(maskf)
    loss = jnp.sum(loss * maskf) / jnp.maximum(denom, 1.0)
    return loss

if __name__ == "__main__":
    import jax
    _d = setup_inputs()
    print(jax.jit(kernel)(*tuple(_d.values())))

</pallas_src>

<mosaic_0001>
#map = affine_map<(d0, d1) -> (0)>
#map1 = affine_map<(d0, d1) -> (0, 0)>
module attributes {stable_mosaic.version = 14 : i64} {
  func.func @_sc_gather_pt(%arg0: i32, %arg1: i32, %arg2: memref<8192xi32, #tpu.memory_space<hbm>>, %arg3: memref<2048000x128xf32, #tpu.memory_space<hbm>>, %arg4: memref<8192x128xf32, #tpu.memory_space<hbm>>, %arg5: memref<256xi32, #tpu.memory_space<vmem>>, %arg6: memref<2x128xi32, #tpu.memory_space<vmem>>, %arg7: memref<128x128xf32, #tpu.memory_space<vmem>>, %arg8: memref<128x128xf32, #tpu.memory_space<vmem>>, %arg9: memref<!tpu.dma_semaphore, #tpu.memory_space<semaphore_mem>>) attributes {dimension_semantics = [#tpu.dimension_semantics<core_parallel>, #tpu.dimension_semantics<subcore_parallel>], iteration_bounds = array<i64: 2, 16>, scalar_prefetch = 0 : i64, scratch_operands = 5 : i64, tpu.core_type = #tpu.core_type<sc_vector_subcore>, window_params = [{transform_indices = #map}, {transform_indices = #map1}, {transform_indices = #map1}]} {
    %mul3A = arith.constant 2 : i32
    %mul3A_0 = arith.muli %arg1, %mul3A : i32
    %add3A = arith.addi %mul3A_0, %arg0 : i32
    %mul3A_1 = arith.constant 256 : i32
    %mul3A_2 = arith.muli %add3A, %mul3A_1 : i32
    "tpu.region"() ({
      %run_scoped3A = tpu.sem_alloc : memref<!tpu.dma_semaphore, #tpu.memory_space<semaphore_mem>>
      %dma_start3A_524 = tpu.memref_slice %arg2[%mul3A_2] : memref<8192xi32, #tpu.memory_space<hbm>> -> memref<256xi32, #tpu.memory_space<hbm>>
      %dma_start3A_525 = tpu.memref_slice %arg2[%mul3A_2] : memref<8192xi32, #tpu.memory_space<hbm>> -> memref<256xi32, #tpu.memory_space<hbm>>
      tpu.enqueue_dma source(%dma_start3A_525 : memref<256xi32, #tpu.memory_space<hbm>>) target(%arg5 : memref<256xi32, #tpu.memory_space<vmem>>) target_semaphore(%run_scoped3A : memref<!tpu.dma_semaphore, #tpu.memory_space<semaphore_mem>>)
      %dma_wait3A_526 = tpu.memref_slice %arg2[%mul3A_2] : memref<8192xi32, #tpu.memory_space<hbm>> -> memref<256xi32, #tpu.memory_space<hbm>>
      %dma_wait3A_527 = tpu.memref_slice %arg2[%mul3A_2] : memref<8192xi32, #tpu.memory_space<hbm>> -> memref<256xi32, #tpu.memory_space<hbm>>
      tpu.wait_dma2 semaphore(%run_scoped3A : memref<!tpu.dma_semaphore, #tpu.memory_space<semaphore_mem>>) src(%dma_wait3A_527 : memref<256xi32, #tpu.memory_space<hbm>>) dst(%arg5 : memref<256xi32, #tpu.memory_space<vmem>>)
      tpu.yield
    }) : () -> ()
    %add3A_3 = arith.constant 0 : i32
    %add3A_4 = arith.addi %mul3A_2, %add3A_3 : i32
    %iota3A = tpu.iota {dimensions = array<i32: 0>} : vector<16xi32>
    %add3A_5 = vector.broadcast %add3A_4 : i32 to vector<16xi32>
    %add3A_6 = arith.addi %add3A_5, %iota3A : vector<16xi32>
    %get3A = arith.constant 0 : index
    %get3A_7 = tpu.vector_load %arg5[%get3A] {strides = array<i32>} : memref<256xi32, #tpu.memory_space<vmem>>, vector<16xi32>,
    %get3A_8 = vector.shape_cast %get3A_7 : vector<16xi32> to vector<16xi32>
    %shift_right_arithmetic3A = arith.constant 3 : i32
    %shift_right_arithmetic3A_9 = vector.broadcast %shift_right_arithmetic3A : i32 to vector<16xi32>
    %shift_right_arithmetic3A_10 = arith.shrsi %add3A_6, %shift_right_arithmetic3A_9 : vector<16xi32>
    %mul3A_11 = arith.constant 250 : i32
    %mul3A_12 = vector.broadcast %mul3A_11 : i32 to vector<16xi32>
    %mul3A_13 = arith.muli %shift_right_arithmetic3A_10, %mul3A_12 : vector<16xi32>
    %shift_right_arithmetic3A_14 = arith.constant 7 : i32
    %shift_right_arithmetic3A_15 = vector.broadcast %shift_right_arithmetic3A_14 : i32 to vector<16xi32>
    %shift_right_arithmetic3A_16 = arith.shrsi %get3A_8, %shift_right_arithmetic3A_15 : vector<16xi32>
    %add3A_17 = arith.addi %mul3A_13, %shift_right_arithmetic3A_16 : vector<16xi32>
    %mul3A_18 = arith.constant 8 : i32
    %mul3A_19 = vector.broadcast %mul3A_18 : i32 to vector<16xi32>
    %mul3A_20 = arith.muli %add3A_17, %mul3A_19 : vector<16xi32>
    %and3A = arith.constant 7 : i32
    %and3A_21 = vector.broadcast %and3A : i32 to vector<16xi32>
    %and3A_22 = arith.andi %add3A_6, %and3A_21 : vector<16xi32>
    %add3A_23 = arith.addi %mul3A_20, %and3A_22 : vector<16xi32>
    %swap3A = arith.constant 0 : i32
    %swap3A_24 = arith.index_cast %swap3A : i32 to index
    %swap3A_25 = arith.constant 0 : index
    %swap3A_26 = tpu.vector_load %arg6[%swap3A_24, %swap3A_25] {strides = array<i32>} : memref<2x128xi32, #tpu.memory_space<vmem>>, vector<1x16xi32>,
    %swap3A_27 = vector.shape_cast %swap3A_26 : vector<1x16xi32> to vector<16xi32>
    %swap3A_28 = vector.shape_cast %add3A_23 : vector<16xi32> to vector<1x16xi32>
    tpu.vector_store %arg6[%swap3A_24, %swap3A_25], %swap3A_28 {strides = array<i32>} : memref<2x128xi32, #tpu.memory_space<vmem>>, vector<1x16xi32>,
    %add3A_29 = arith.constant 16 : i32
    %add3A_30 = arith.addi %mul3A_2, %add3A_29 : i32
    %iota3A_31 = tpu.iota {dimensions = array<i32: 0>} : vector<16xi32>
    %add3A_32 = vector.broadcast %add3A_30 : i32 to vector<16xi32>
    %add3A_33 = arith.addi %add3A_32, %iota3A_31 : vector<16xi32>
    %get3A_34 = arith.constant 16 : index
    %get3A_35 = tpu.vector_load %arg5[%get3A_34] {strides = array<i32>} : memref<256xi32, #tpu.memory_space<vmem>>, vector<16xi32>,
    %get3A_36 = vector.shape_cast %get3A_35 : vector<16xi32> to vector<16xi32>
    %shift_right_arithmetic3A_37 = arith.constant 3 : i32
    %shift_right_arithmetic3A_38 = vector.broadcast %shift_right_arithmetic3A_37 : i32 to vector<16xi32>
    %shift_right_arithmetic3A_39 = arith.shrsi %add3A_33, %shift_right_arithmetic3A_38 : vector<16xi32>
    %mul3A_40 = arith.constant 250 : i32
    %mul3A_41 = vector.broadcast %mul3A_40 : i32 to vector<16xi32>
    %mul3A_42 = arith.muli %shift_right_arithmetic3A_39, %mul3A_41 : vector<16xi32>
    %shift_right_arithmetic3A_43 = arith.constant 7 : i32
    %shift_right_arithmetic3A_44 = vector.broadcast %shift_right_arithmetic3A_43 : i32 to vector<16xi32>
    %shift_right_arithmetic3A_45 = arith.shrsi %get3A_36, %shift_right_arithmetic3A_44 : vector<16xi32>
    %add3A_46 = arith.addi %mul3A_42, %shift_right_arithmetic3A_45 : vector<16xi32>
    %mul3A_47 = arith.constant 8 : i32
    %mul3A_48 = vector.broadcast %mul3A_47 : i32 to vector<16xi32>
    %mul3A_49 = arith.muli %add3A_46, %mul3A_48 : vector<16xi32>
    %and3A_50 = arith.constant 7 : i32
    %and3A_51 = vector.broadcast %and3A_50 : i32 to vector<16xi32>
    %and3A_52 = arith.andi %add3A_33, %and3A_51 : vector<16xi32>
    %add3A_53 = arith.addi %mul3A_49, %and3A_52 : vector<16xi32>
    %swap3A_54 = arith.constant 0 : i32
    %swap3A_55 = arith.index_cast %swap3A_54 : i32 to index
    %swap3A_56 = arith.constant 16 : index
    %swap3A_57 = tpu.vector_load %arg6[%swap3A_55, %swap3A_56] {strides = array<i32>} : memref<2x128xi32, #tpu.memory_space<vmem>>, vector<1x16xi32>,
    %swap3A_58 = vector.shape_cast %swap3A_57 : vector<1x16xi32> to vector<16xi32>
    %swap3A_59 = vector.shape_cast %add3A_53 : vector<16xi32> to vector<1x16xi32>
    tpu.vector_store %arg6[%swap3A_55, %swap3A_56], %swap3A_59 {strides = array<i32>} : memref<2x128xi32, #tpu.memory_space<vmem>>, vector<1x16xi32>,
    %add3A_60 = arith.constant 32 : i32
    %add3A_61 = arith.addi %mul3A_2, %add3A_60 : i32
    %iota3A_62 = tpu.iota {dimensions = array<i32: 0>} : vector<16xi32>
    %add3A_63 = vector.broadcast %add3A_61 : i32 to vector<16xi32>
    %add3A_64 = arith.addi %add3A_63, %iota3A_62 : vector<16xi32>
    %get3A_65 = arith.constant 32 : index
    %get3A_66 = tpu.vector_load %arg5[%get3A_65] {strides = array<i32>} : memref<256xi32, #tpu.memory_space<vmem>>, vector<16xi32>,
    %get3A_67 = vector.shape_cast %get3A_66 : vector<16xi32> to vector<16xi32>
    %shift_right_arithmetic3A_68 = arith.constant 3 : i32
    %shift_right_arithmetic3A_69 = vector.broadcast %shift_right_arithmetic3A_68 : i32 to vector<16xi32>
    %shift_right_arithmetic3A_70 = arith.shrsi %add3A_64, %shift_right_arithmetic3A_69 : vector<16xi32>
    %mul3A_71 = arith.constant 250 : i32
    %mul3A_72 = vector.broadcast %mul3A_71 : i32 to vector<16xi32>
    %mul3A_73 = arith.muli %shift_right_arithmetic3A_70, %mul3A_72 : vector<16xi32>
    %shift_right_arithmetic3A_74 = arith.constant 7 : i32
    %shift_right_arithmetic3A_75 = vector.broadcast %shift_right_arithmetic3A_74 : i32 to vector<16xi32>
    %shift_right_arithmetic3A_76 = arith.shrsi %get3A_67, %shift_right_arithmetic3A_75 : vector<16xi32>
    %add3A_77 = arith.addi %mul3A_73, %shift_right_arithmetic3A_76 : vector<16xi32>
    %mul3A_78 = arith.constant 8 : i32
    %mul3A_79 = vector.broadcast %mul3A_78 : i32 to vector<16xi32>
    %mul3A_80 = arith.muli %add3A_77, %mul3A_79 : vector<16xi32>
    %and3A_81 = arith.constant 7 : i32
    %and3A_82 = vector.broadcast %and3A_81 : i32 to vector<16xi32>
    %and3A_83 = arith.andi %add3A_64, %and3A_82 : vector<16xi32>
    %add3A_84 = arith.addi %mul3A_80, %and3A_83 : vector<16xi32>
    %swap3A_85 = arith.constant 0 : i32
    %swap3A_86 = arith.index_cast %swap3A_85 : i32 to index
    %swap3A_87 = arith.constant 32 : index
    %swap3A_88 = tpu.vector_load %arg6[%swap3A_86, %swap3A_87] {strides = array<i32>} : memref<2x128xi32, #tpu.memory_space<vmem>>, vector<1x16xi32>,
    %swap3A_89 = vector.shape_cast %swap3A_88 : vector<1x16xi32> to vector<16xi32>
    %swap3A_90 = vector.shape_cast %add3A_84 : vector<16xi32> to vector<1x16xi32>
    tpu.vector_store %arg6[%swap3A_86, %swap3A_87], %swap3A_90 {strides = array<i32>} : memref<2x128xi32, #tpu.memory_space<vmem>>, vector<1x16xi32>,
    %add3A_91 = arith.constant 48 : i32
    %add3A_92 = arith.addi %mul3A_2, %add3A_91 : i32
    %iota3A_93 = tpu.iota {dimensions = array<i32: 0>} : vector<16xi32>
    %add3A_94 = vector.broadcast %add3A_92 : i32 to vector<16xi32>
    %add3A_95 = arith.addi %add3A_94, %iota3A_93 : vector<16xi32>
    %get3A_96 = arith.constant 48 : index
    %get3A_97 = tpu.vector_load %arg5[%get3A_96] {strides = array<i32>} : memref<256xi32, #tpu.memory_space<vmem>>, vector<16xi32>,
    %get3A_98 = vector.shape_cast %get3A_97 : vector<16xi32> to vector<16xi32>
    %shift_right_arithmetic3A_99 = arith.constant 3 : i32
    %shift_right_arithmetic3A_100 = vector.broadcast %shift_right_arithmetic3A_99 : i32 to vector<16xi32>
    %shift_right_arithmetic3A_101 = arith.shrsi %add3A_95, %shift_right_arithmetic3A_100 : vector<16xi32>
    %mul3A_102 = arith.constant 250 : i32
    %mul3A_103 = vector.broadcast %mul3A_102 : i32 to vector<16xi32>
    %mul3A_104 = arith.muli %shift_right_arithmetic3A_101, %mul3A_103 : vector<16xi32>
    %shift_right_arithmetic3A_105 = arith.constant 7 : i32
    %shift_right_arithmetic3A_106 = vector.broadcast %shift_right_arithmetic3A_105 : i32 to vector<16xi32>
    %shift_right_arithmetic3A_107 = arith.shrsi %get3A_98, %shift_right_arithmetic3A_106 : vector<16xi32>
    %add3A_108 = arith.addi %mul3A_104, %shift_right_arithmetic3A_107 : vector<16xi32>
    %mul3A_109 = arith.constant 8 : i32
    %mul3A_110 = vector.broadcast %mul3A_109 : i32 to vector<16xi32>
    %mul3A_111 = arith.muli %add3A_108, %mul3A_110 : vector<16xi32>
    %and3A_112 = arith.constant 7 : i32
    %and3A_113 = vector.broadcast %and3A_112 : i32 to vector<16xi32>
    %and3A_114 = arith.andi %add3A_95, %and3A_113 : vector<16xi32>
    %add3A_115 = arith.addi %mul3A_111, %and3A_114 : vector<16xi32>
    %swap3A_116 = arith.constant 0 : i32
    %swap3A_117 = arith.index_cast %swap3A_116 : i32 to index
    %swap3A_118 = arith.constant 48 : index
    %swap3A_119 = tpu.vector_load %arg6[%swap3A_117, %swap3A_118] {strides = array<i32>} : memref<2x128xi32, #tpu.memory_space<vmem>>, vector<1x16xi32>,
    %swap3A_120 = vector.shape_cast %swap3A_119 : vector<1x16xi32> to vector<16xi32>
    %swap3A_121 = vector.shape_cast %add3A_115 : vector<16xi32> to vector<1x16xi32>
    tpu.vector_store %arg6[%swap3A_117, %swap3A_118], %swap3A_121 {strides = array<i32>} : memref<2x128xi32, #tpu.memory_space<vmem>>, vector<1x16xi32>,
    %add3A_122 = arith.constant 64 : i32
    %add3A_123 = arith.addi %mul3A_2, %add3A_122 : i32
    %iota3A_124 = tpu.iota {dimensions = array<i32: 0>} : vector<16xi32>
    %add3A_125 = vector.broadcast %add3A_123 : i32 to vector<16xi32>
    %add3A_126 = arith.addi %add3A_125, %iota3A_124 : vector<16xi32>
    %get3A_127 = arith.constant 64 : index
    %get3A_128 = tpu.vector_load %arg5[%get3A_127] {strides = array<i32>} : memref<256xi32, #tpu.memory_space<vmem>>, vector<16xi32>,
    %get3A_129 = vector.shape_cast %get3A_128 : vector<16xi32> to vector<16xi32>
    %shift_right_arithmetic3A_130 = arith.constant 3 : i32
    %shift_right_arithmetic3A_131 = vector.broadcast %shift_right_arithmetic3A_130 : i32 to vector<16xi32>
    %shift_right_arithmetic3A_132 = arith.shrsi %add3A_126, %shift_right_arithmetic3A_131 : vector<16xi32>
    %mul3A_133 = arith.constant 250 : i32
    %mul3A_134 = vector.broadcast %mul3A_133 : i32 to vector<16xi32>
    %mul3A_135 = arith.muli %shift_right_arithmetic3A_132, %mul3A_134 : vector<16xi32>
    %shift_right_arithmetic3A_136 = arith.constant 7 : i32
    %shift_right_arithmetic3A_137 = vector.broadcast %shift_right_arithmetic3A_136 : i32 to vector<16xi32>
    %shift_right_arithmetic3A_138 = arith.shrsi %get3A_129, %shift_right_arithmetic3A_137 : vector<16xi32>
    %add3A_139 = arith.addi %mul3A_135, %shift_right_arithmetic3A_138 : vector<16xi32>
    %mul3A_140 = arith.constant 8 : i32
    %mul3A_141 = vector.broadcast %mul3A_140 : i32 to vector<16xi32>
    %mul3A_142 = arith.muli %add3A_139, %mul3A_141 : vector<16xi32>
    %and3A_143 = arith.constant 7 : i32
    %and3A_144 = vector.broadcast %and3A_143 : i32 to vector<16xi32>
    %and3A_145 = arith.andi %add3A_126, %and3A_144 : vector<16xi32>
    %add3A_146 = arith.addi %mul3A_142, %and3A_145 : vector<16xi32>
    %swap3A_147 = arith.constant 0 : i32
    %swap3A_148 = arith.index_cast %swap3A_147 : i32 to index
    %swap3A_149 = arith.constant 64 : index
    %swap3A_150 = tpu.vector_load %arg6[%swap3A_148, %swap3A_149] {strides = array<i32>} : memref<2x128xi32, #tpu.memory_space<vmem>>, vector<1x16xi32>,
    %swap3A_151 = vector.shape_cast %swap3A_150 : vector<1x16xi32> to vector<16xi32>
    %swap3A_152 = vector.shape_cast %add3A_146 : vector<16xi32> to vector<1x16xi32>
    tpu.vector_store %arg6[%swap3A_148, %swap3A_149], %swap3A_152 {strides = array<i32>} : memref<2x128xi32, #tpu.memory_space<vmem>>, vector<1x16xi32>,
    %add3A_153 = arith.constant 80 : i32
    %add3A_154 = arith.addi %mul3A_2, %add3A_153 : i32
    %iota3A_155 = tpu.iota {dimensions = array<i32: 0>} : vector<16xi32>
    %add3A_156 = vector.broadcast %add3A_154 : i32 to vector<16xi32>
    %add3A_157 = arith.addi %add3A_156, %iota3A_155 : vector<16xi32>
    %get3A_158 = arith.constant 80 : index
    %get3A_159 = tpu.vector_load %arg5[%get3A_158] {strides = array<i32>} : memref<256xi32, #tpu.memory_space<vmem>>, vector<16xi32>,
    %get3A_160 = vector.shape_cast %get3A_159 : vector<16xi32> to vector<16xi32>
    %shift_right_arithmetic3A_161 = arith.constant 3 : i32
    %shift_right_arithmetic3A_162 = vector.broadcast %shift_right_arithmetic3A_161 : i32 to vector<16xi32>
    %shift_right_arithmetic3A_163 = arith.shrsi %add3A_157, %shift_right_arithmetic3A_162 : vector<16xi32>
    %mul3A_164 = arith.constant 250 : i32
    %mul3A_165 = vector.broadcast %mul3A_164 : i32 to vector<16xi32>
    %mul3A_166 = arith.muli %shift_right_arithmetic3A_163, %mul3A_165 : vector<16xi32>
    %shift_right_arithmetic3A_167 = arith.constant 7 : i32
    %shift_right_arithmetic3A_168 = vector.broadcast %shift_right_arithmetic3A_167 : i32 to vector<16xi32>
    %shift_right_arithmetic3A_169 = arith.shrsi %get3A_160, %shift_right_arithmetic3A_168 : vector<16xi32>
    %add3A_170 = arith.addi %mul3A_166, %shift_right_arithmetic3A_169 : vector<16xi32>
    %mul3A_171 = arith.constant 8 : i32
    %mul3A_172 = vector.broadcast %mul3A_171 : i32 to vector<16xi32>
    %mul3A_173 = arith.muli %add3A_170, %mul3A_172 : vector<16xi32>
    %and3A_174 = arith.constant 7 : i32
    %and3A_175 = vector.broadcast %and3A_174 : i32 to vector<16xi32>
    %and3A_176 = arith.andi %add3A_157, %and3A_175 : vector<16xi32>
    %add3A_177 = arith.addi %mul3A_173, %and3A_176 : vector<16xi32>
    %swap3A_178 = arith.constant 0 : i32
    %swap3A_179 = arith.index_cast %swap3A_178 : i32 to index
    %swap3A_180 = arith.constant 80 : index
    %swap3A_181 = tpu.vector_load %arg6[%swap3A_179, %swap3A_180] {strides = array<i32>} : memref<2x128xi32, #tpu.memory_space<vmem>>, vector<1x16xi32>,
    %swap3A_182 = vector.shape_cast %swap3A_181 : vector<1x16xi32> to vector<16xi32>
    %swap3A_183 = vector.shape_cast %add3A_177 : vector<16xi32> to vector<1x16xi32>
    tpu.vector_store %arg6[%swap3A_179, %swap3A_180], %swap3A_183 {strides = array<i32>} : memref<2x128xi32, #tpu.memory_space<vmem>>, vector<1x16xi32>,
    %add3A_184 = arith.constant 96 : i32
    %add3A_185 = arith.addi %mul3A_2, %add3A_184 : i32
    %iota3A_186 = tpu.iota {dimensions = array<i32: 0>} : vector<16xi32>
    %add3A_187 = vector.broadcast %add3A_185 : i32 to vector<16xi32>
    %add3A_188 = arith.addi %add3A_187, %iota3A_186 : vector<16xi32>
    %get3A_189 = arith.constant 96 : index
    %get3A_190 = tpu.vector_load %arg5[%get3A_189] {strides = array<i32>} : memref<256xi32, #tpu.memory_space<vmem>>, vector<16xi32>,
    %get3A_191 = vector.shape_cast %get3A_190 : vector<16xi32> to vector<16xi32>
    %shift_right_arithmetic3A_192 = arith.constant 3 : i32
    %shift_right_arithmetic3A_193 = vector.broadcast %shift_right_arithmetic3A_192 : i32 to vector<16xi32>
    %shift_right_arithmetic3A_194 = arith.shrsi %add3A_188, %shift_right_arithmetic3A_193 : vector<16xi32>
    %mul3A_195 = arith.constant 250 : i32
    %mul3A_196 = vector.broadcast %mul3A_195 : i32 to vector<16xi32>
    %mul3A_197 = arith.muli %shift_right_arithmetic3A_194, %mul3A_196 : vector<16xi32>
    %shift_right_arithmetic3A_198 = arith.constant 7 : i32
    %shift_right_arithmetic3A_199 = vector.broadcast %shift_right_arithmetic3A_198 : i32 to vector<16xi32>
    %shift_right_arithmetic3A_200 = arith.shrsi %get3A_191, %shift_right_arithmetic3A_199 : vector<16xi32>
    %add3A_201 = arith.addi %mul3A_197, %shift_right_arithmetic3A_200 : vector<16xi32>
    %mul3A_202 = arith.constant 8 : i32
    %mul3A_203 = vector.broadcast %mul3A_202 : i32 to vector<16xi32>
    %mul3A_204 = arith.muli %add3A_201, %mul3A_203 : vector<16xi32>
    %and3A_205 = arith.constant 7 : i32
    %and3A_206 = vector.broadcast %and3A_205 : i32 to vector<16xi32>
    %and3A_207 = arith.andi %add3A_188, %and3A_206 : vector<16xi32>
    %add3A_208 = arith.addi %mul3A_204, %and3A_207 : vector<16xi32>
    %swap3A_209 = arith.constant 0 : i32
    %swap3A_210 = arith.index_cast %swap3A_209 : i32 to index
    %swap3A_211 = arith.constant 96 : index
    %swap3A_212 = tpu.vector_load %arg6[%swap3A_210, %swap3A_211] {strides = array<i32>} : memref<2x128xi32, #tpu.memory_space<vmem>>, vector<1x16xi32>,
    %swap3A_213 = vector.shape_cast %swap3A_212 : vector<1x16xi32> to vector<16xi32>
    %swap3A_214 = vector.shape_cast %add3A_208 : vector<16xi32> to vector<1x16xi32>
    tpu.vector_store %arg6[%swap3A_210, %swap3A_211], %swap3A_214 {strides = array<i32>} : memref<2x128xi32, #tpu.memory_space<vmem>>, vector<1x16xi32>,
    %add3A_215 = arith.constant 112 : i32
    %add3A_216 = arith.addi %mul3A_2, %add3A_215 : i32
    %iota3A_217 = tpu.iota {dimensions = array<i32: 0>} : vector<16xi32>
    %add3A_218 = vector.broadcast %add3A_216 : i32 to vector<16xi32>
    %add3A_219 = arith.addi %add3A_218, %iota3A_217 : vector<16xi32>
    %get3A_220 = arith.constant 112 : index
    %get3A_221 = tpu.vector_load %arg5[%get3A_220] {strides = array<i32>} : memref<256xi32, #tpu.memory_space<vmem>>, vector<16xi32>,
    %get3A_222 = vector.shape_cast %get3A_221 : vector<16xi32> to vector<16xi32>
    %shift_right_arithmetic3A_223 = arith.constant 3 : i32
    %shift_right_arithmetic3A_224 = vector.broadcast %shift_right_arithmetic3A_223 : i32 to vector<16xi32>
    %shift_right_arithmetic3A_225 = arith.shrsi %add3A_219, %shift_right_arithmetic3A_224 : vector<16xi32>
    %mul3A_226 = arith.constant 250 : i32
    %mul3A_227 = vector.broadcast %mul3A_226 : i32 to vector<16xi32>
    %mul3A_228 = arith.muli %shift_right_arithmetic3A_225, %mul3A_227 : vector<16xi32>
    %shift_right_arithmetic3A_229 = arith.constant 7 : i32
    %shift_right_arithmetic3A_230 = vector.broadcast %shift_right_arithmetic3A_229 : i32 to vector<16xi32>
    %shift_right_arithmetic3A_231 = arith.shrsi %get3A_222, %shift_right_arithmetic3A_230 : vector<16xi32>
    %add3A_232 = arith.addi %mul3A_228, %shift_right_arithmetic3A_231 : vector<16xi32>
    %mul3A_233 = arith.constant 8 : i32
    %mul3A_234 = vector.broadcast %mul3A_233 : i32 to vector<16xi32>
    %mul3A_235 = arith.muli %add3A_232, %mul3A_234 : vector<16xi32>
    %and3A_236 = arith.constant 7 : i32
    %and3A_237 = vector.broadcast %and3A_236 : i32 to vector<16xi32>
    %and3A_238 = arith.andi %add3A_219, %and3A_237 : vector<16xi32>
    %add3A_239 = arith.addi %mul3A_235, %and3A_238 : vector<16xi32>
    %swap3A_240 = arith.constant 0 : i32
    %swap3A_241 = arith.index_cast %swap3A_240 : i32 to index
    %swap3A_242 = arith.constant 112 : index
    %swap3A_243 = tpu.vector_load %arg6[%swap3A_241, %swap3A_242] {strides = array<i32>} : memref<2x128xi32, #tpu.memory_space<vmem>>, vector<1x16xi32>,
    %swap3A_244 = vector.shape_cast %swap3A_243 : vector<1x16xi32> to vector<16xi32>
    %swap3A_245 = vector.shape_cast %add3A_239 : vector<16xi32> to vector<1x16xi32>
    tpu.vector_store %arg6[%swap3A_241, %swap3A_242], %swap3A_245 {strides = array<i32>} : memref<2x128xi32, #tpu.memory_space<vmem>>, vector<1x16xi32>,
    %add3A_246 = arith.constant 128 : i32
    %add3A_247 = arith.addi %mul3A_2, %add3A_246 : i32
    %iota3A_248 = tpu.iota {dimensions = array<i32: 0>} : vector<16xi32>
    %add3A_249 = vector.broadcast %add3A_247 : i32 to vector<16xi32>
    %add3A_250 = arith.addi %add3A_249, %iota3A_248 : vector<16xi32>
    %get3A_251 = arith.constant 128 : index
    %get3A_252 = tpu.vector_load %arg5[%get3A_251] {strides = array<i32>} : memref<256xi32, #tpu.memory_space<vmem>>, vector<16xi32>,
    %get3A_253 = vector.shape_cast %get3A_252 : vector<16xi32> to vector<16xi32>
    %shift_right_arithmetic3A_254 = arith.constant 3 : i32
    %shift_right_arithmetic3A_255 = vector.broadcast %shift_right_arithmetic3A_254 : i32 to vector<16xi32>
    %shift_right_arithmetic3A_256 = arith.shrsi %add3A_250, %shift_right_arithmetic3A_255 : vector<16xi32>
    %mul3A_257 = arith.constant 250 : i32
    %mul3A_258 = vector.broadcast %mul3A_257 : i32 to vector<16xi32>
    %mul3A_259 = arith.muli %shift_right_arithmetic3A_256, %mul3A_258 : vector<16xi32>
    %shift_right_arithmetic3A_260 = arith.constant 7 : i32
    %shift_right_arithmetic3A_261 = vector.broadcast %shift_right_arithmetic3A_260 : i32 to vector<16xi32>
    %shift_right_arithmetic3A_262 = arith.shrsi %get3A_253, %shift_right_arithmetic3A_261 : vector<16xi32>
    %add3A_263 = arith.addi %mul3A_259, %shift_right_arithmetic3A_262 : vector<16xi32>
    %mul3A_264 = arith.constant 8 : i32
    %mul3A_265 = vector.broadcast %mul3A_264 : i32 to vector<16xi32>
    %mul3A_266 = arith.muli %add3A_263, %mul3A_265 : vector<16xi32>
    %and3A_267 = arith.constant 7 : i32
    %and3A_268 = vector.broadcast %and3A_267 : i32 to vector<16xi32>
    %and3A_269 = arith.andi %add3A_250, %and3A_268 : vector<16xi32>
    %add3A_270 = arith.addi %mul3A_266, %and3A_269 : vector<16xi32>
    %swap3A_271 = arith.constant 1 : i32
    %swap3A_272 = arith.index_cast %swap3A_271 : i32 to index
    %swap3A_273 = arith.constant 0 : index
    %swap3A_274 = tpu.vector_load %arg6[%swap3A_272, %swap3A_273] {strides = array<i32>} : memref<2x128xi32, #tpu.memory_space<vmem>>, vector<1x16xi32>,
    %swap3A_275 = vector.shape_cast %swap3A_274 : vector<1x16xi32> to vector<16xi32>
    %swap3A_276 = vector.shape_cast %add3A_270 : vector<16xi32> to vector<1x16xi32>
    tpu.vector_store %arg6[%swap3A_272, %swap3A_273], %swap3A_276 {strides = array<i32>} : memref<2x128xi32, #tpu.memory_space<vmem>>, vector<1x16xi32>,
    %add3A_277 = arith.constant 144 : i32
    %add3A_278 = arith.addi %mul3A_2, %add3A_277 : i32
    %iota3A_279 = tpu.iota {dimensions = array<i32: 0>} : vector<16xi32>
    %add3A_280 = vector.broadcast %add3A_278 : i32 to vector<16xi32>
    %add3A_281 = arith.addi %add3A_280, %iota3A_279 : vector<16xi32>
    %get3A_282 = arith.constant 144 : index
    %get3A_283 = tpu.vector_load %arg5[%get3A_282] {strides = array<i32>} : memref<256xi32, #tpu.memory_space<vmem>>, vector<16xi32>,
    %get3A_284 = vector.shape_cast %get3A_283 : vector<16xi32> to vector<16xi32>
    %shift_right_arithmetic3A_285 = arith.constant 3 : i32
    %shift_right_arithmetic3A_286 = vector.broadcast %shift_right_arithmetic3A_285 : i32 to vector<16xi32>
    %shift_right_arithmetic3A_287 = arith.shrsi %add3A_281, %shift_right_arithmetic3A_286 : vector<16xi32>
    %mul3A_288 = arith.constant 250 : i32
    %mul3A_289 = vector.broadcast %mul3A_288 : i32 to vector<16xi32>
    %mul3A_290 = arith.muli %shift_right_arithmetic3A_287, %mul3A_289 : vector<16xi32>
    %shift_right_arithmetic3A_291 = arith.constant 7 : i32
    %shift_right_arithmetic3A_292 = vector.broadcast %shift_right_arithmetic3A_291 : i32 to vector<16xi32>
    %shift_right_arithmetic3A_293 = arith.shrsi %get3A_284, %shift_right_arithmetic3A_292 : vector<16xi32>
    %add3A_294 = arith.addi %mul3A_290, %shift_right_arithmetic3A_293 : vector<16xi32>
    %mul3A_295 = arith.constant 8 : i32
    %mul3A_296 = vector.broadcast %mul3A_295 : i32 to vector<16xi32>
    %mul3A_297 = arith.muli %add3A_294, %mul3A_296 : vector<16xi32>
    %and3A_298 = arith.constant 7 : i32
    %and3A_299 = vector.broadcast %and3A_298 : i32 to vector<16xi32>
    %and3A_300 = arith.andi %add3A_281, %and3A_299 : vector<16xi32>
    %add3A_301 = arith.addi %mul3A_297, %and3A_300 : vector<16xi32>
    %swap3A_302 = arith.constant 1 : i32
    %swap3A_303 = arith.index_cast %swap3A_302 : i32 to index
    %swap3A_304 = arith.constant 16 : index
    %swap3A_305 = tpu.vector_load %arg6[%swap3A_303, %swap3A_304] {strides = array<i32>} : memref<2x128xi32, #tpu.memory_space<vmem>>, vector<1x16xi32>,
    %swap3A_306 = vector.shape_cast %swap3A_305 : vector<1x16xi32> to vector<16xi32>
    %swap3A_307 = vector.shape_cast %add3A_301 : vector<16xi32> to vector<1x16xi32>
    tpu.vector_store %arg6[%swap3A_303, %swap3A_304], %swap3A_307 {strides = array<i32>} : memref<2x128xi32, #tpu.memory_space<vmem>>, vector<1x16xi32>,
    %add3A_308 = arith.constant 160 : i32
    %add3A_309 = arith.addi %mul3A_2, %add3A_308 : i32
    %iota3A_310 = tpu.iota {dimensions = array<i32: 0>} : vector<16xi32>
    %add3A_311 = vector.broadcast %add3A_309 : i32 to vector<16xi32>
    %add3A_312 = arith.addi %add3A_311, %iota3A_310 : vector<16xi32>
    %get3A_313 = arith.constant 160 : index
    %get3A_314 = tpu.vector_load %arg5[%get3A_313] {strides = array<i32>} : memref<256xi32, #tpu.memory_space<vmem>>, vector<16xi32>,
    %get3A_315 = vector.shape_cast %get3A_314 : vector<16xi32> to vector<16xi32>
    %shift_right_arithmetic3A_316 = arith.constant 3 : i32
    %shift_right_arithmetic3A_317 = vector.broadcast %shift_right_arithmetic3A_316 : i32 to vector<16xi32>
    %shift_right_arithmetic3A_318 = arith.shrsi %add3A_312, %shift_right_arithmetic3A_317 : vector<16xi32>
    %mul3A_319 = arith.constant 250 : i32
    %mul3A_320 = vector.broadcast %mul3A_319 : i32 to vector<16xi32>
    %mul3A_321 = arith.muli %shift_right_arithmetic3A_318, %mul3A_320 : vector<16xi32>
    %shift_right_arithmetic3A_322 = arith.constant 7 : i32
    %shift_right_arithmetic3A_323 = vector.broadcast %shift_right_arithmetic3A_322 : i32 to vector<16xi32>
    %shift_right_arithmetic3A_324 = arith.shrsi %get3A_315, %shift_right_arithmetic3A_323 : vector<16xi32>
    %add3A_325 = arith.addi %mul3A_321, %shift_right_arithmetic3A_324 : vector<16xi32>
    %mul3A_326 = arith.constant 8 : i32
    %mul3A_327 = vector.broadcast %mul3A_326 : i32 to vector<16xi32>
    %mul3A_328 = arith.muli %add3A_325, %mul3A_327 : vector<16xi32>
    %and3A_329 = arith.constant 7 : i32
    %and3A_330 = vector.broadcast %and3A_329 : i32 to vector<16xi32>
    %and3A_331 = arith.andi %add3A_312, %and3A_330 : vector<16xi32>
    %add3A_332 = arith.addi %mul3A_328, %and3A_331 : vector<16xi32>
    %swap3A_333 = arith.constant 1 : i32
    %swap3A_334 = arith.index_cast %swap3A_333 : i32 to index
    %swap3A_335 = arith.constant 32 : index
    %swap3A_336 = tpu.vector_load %arg6[%swap3A_334, %swap3A_335] {strides = array<i32>} : memref<2x128xi32, #tpu.memory_space<vmem>>, vector<1x16xi32>,
    %swap3A_337 = vector.shape_cast %swap3A_336 : vector<1x16xi32> to vector<16xi32>
    %swap3A_338 = vector.shape_cast %add3A_332 : vector<16xi32> to vector<1x16xi32>
    tpu.vector_store %arg6[%swap3A_334, %swap3A_335], %swap3A_338 {strides = array<i32>} : memref<2x128xi32, #tpu.memory_space<vmem>>, vector<1x16xi32>,
    %add3A_339 = arith.constant 176 : i32
    %add3A_340 = arith.addi %mul3A_2, %add3A_339 : i32
    %iota3A_341 = tpu.iota {dimensions = array<i32: 0>} : vector<16xi32>
    %add3A_342 = vector.broadcast %add3A_340 : i32 to vector<16xi32>
    %add3A_343 = arith.addi %add3A_342, %iota3A_341 : vector<16xi32>
    %get3A_344 = arith.constant 176 : index
    %get3A_345 = tpu.vector_load %arg5[%get3A_344] {strides = array<i32>} : memref<256xi32, #tpu.memory_space<vmem>>, vector<16xi32>,
    %get3A_346 = vector.shape_cast %get3A_345 : vector<16xi32> to vector<16xi32>
    %shift_right_arithmetic3A_347 = arith.constant 3 : i32
    %shift_right_arithmetic3A_348 = vector.broadcast %shift_right_arithmetic3A_347 : i32 to vector<16xi32>
    %shift_right_arithmetic3A_349 = arith.shrsi %add3A_343, %shift_right_arithmetic3A_348 : vector<16xi32>
    %mul3A_350 = arith.constant 250 : i32
    %mul3A_351 = vector.broadcast %mul3A_350 : i32 to vector<16xi32>
    %mul3A_352 = arith.muli %shift_right_arithmetic3A_349, %mul3A_351 : vector<16xi32>
    %shift_right_arithmetic3A_353 = arith.constant 7 : i32
    %shift_right_arithmetic3A_354 = vector.broadcast %shift_right_arithmetic3A_353 : i32 to vector<16xi32>
    %shift_right_arithmetic3A_355 = arith.shrsi %get3A_346, %shift_right_arithmetic3A_354 : vector<16xi32>
    %add3A_356 = arith.addi %mul3A_352, %shift_right_arithmetic3A_355 : vector<16xi32>
    %mul3A_357 = arith.constant 8 : i32
    %mul3A_358 = vector.broadcast %mul3A_357 : i32 to vector<16xi32>
    %mul3A_359 = arith.muli %add3A_356, %mul3A_358 : vector<16xi32>
    %and3A_360 = arith.constant 7 : i32
    %and3A_361 = vector.broadcast %and3A_360 : i32 to vector<16xi32>
    %and3A_362 = arith.andi %add3A_343, %and3A_361 : vector<16xi32>
    %add3A_363 = arith.addi %mul3A_359, %and3A_362 : vector<16xi32>
    %swap3A_364 = arith.constant 1 : i32
    %swap3A_365 = arith.index_cast %swap3A_364 : i32 to index
    %swap3A_366 = arith.constant 48 : index
    %swap3A_367 = tpu.vector_load %arg6[%swap3A_365, %swap3A_366] {strides = array<i32>} : memref<2x128xi32, #tpu.memory_space<vmem>>, vector<1x16xi32>,
    %swap3A_368 = vector.shape_cast %swap3A_367 : vector<1x16xi32> to vector<16xi32>
    %swap3A_369 = vector.shape_cast %add3A_363 : vector<16xi32> to vector<1x16xi32>
    tpu.vector_store %arg6[%swap3A_365, %swap3A_366], %swap3A_369 {strides = array<i32>} : memref<2x128xi32, #tpu.memory_space<vmem>>, vector<1x16xi32>,
    %add3A_370 = arith.constant 192 : i32
    %add3A_371 = arith.addi %mul3A_2, %add3A_370 : i32
    %iota3A_372 = tpu.iota {dimensions = array<i32: 0>} : vector<16xi32>
    %add3A_373 = vector.broadcast %add3A_371 : i32 to vector<16xi32>
    %add3A_374 = arith.addi %add3A_373, %iota3A_372 : vector<16xi32>
    %get3A_375 = arith.constant 192 : index
    %get3A_376 = tpu.vector_load %arg5[%get3A_375] {strides = array<i32>} : memref<256xi32, #tpu.memory_space<vmem>>, vector<16xi32>,
    %get3A_377 = vector.shape_cast %get3A_376 : vector<16xi32> to vector<16xi32>
    %shift_right_arithmetic3A_378 = arith.constant 3 : i32
    %shift_right_arithmetic3A_379 = vector.broadcast %shift_right_arithmetic3A_378 : i32 to vector<16xi32>
    %shift_right_arithmetic3A_380 = arith.shrsi %add3A_374, %shift_right_arithmetic3A_379 : vector<16xi32>
    %mul3A_381 = arith.constant 250 : i32
    %mul3A_382 = vector.broadcast %mul3A_381 : i32 to vector<16xi32>
    %mul3A_383 = arith.muli %shift_right_arithmetic3A_380, %mul3A_382 : vector<16xi32>
    %shift_right_arithmetic3A_384 = arith.constant 7 : i32
    %shift_right_arithmetic3A_385 = vector.broadcast %shift_right_arithmetic3A_384 : i32 to vector<16xi32>
    %shift_right_arithmetic3A_386 = arith.shrsi %get3A_377, %shift_right_arithmetic3A_385 : vector<16xi32>
    %add3A_387 = arith.addi %mul3A_383, %shift_right_arithmetic3A_386 : vector<16xi32>
    %mul3A_388 = arith.constant 8 : i32
    %mul3A_389 = vector.broadcast %mul3A_388 : i32 to vector<16xi32>
    %mul3A_390 = arith.muli %add3A_387, %mul3A_389 : vector<16xi32>
    %and3A_391 = arith.constant 7 : i32
    %and3A_392 = vector.broadcast %and3A_391 : i32 to vector<16xi32>
    %and3A_393 = arith.andi %add3A_374, %and3A_392 : vector<16xi32>
    %add3A_394 = arith.addi %mul3A_390, %and3A_393 : vector<16xi32>
    %swap3A_395 = arith.constant 1 : i32
    %swap3A_396 = arith.index_cast %swap3A_395 : i32 to index
    %swap3A_397 = arith.constant 64 : index
    %swap3A_398 = tpu.vector_load %arg6[%swap3A_396, %swap3A_397] {strides = array<i32>} : memref<2x128xi32, #tpu.memory_space<vmem>>, vector<1x16xi32>,
    %swap3A_399 = vector.shape_cast %swap3A_398 : vector<1x16xi32> to vector<16xi32>
    %swap3A_400 = vector.shape_cast %add3A_394 : vector<16xi32> to vector<1x16xi32>
    tpu.vector_store %arg6[%swap3A_396, %swap3A_397], %swap3A_400 {strides = array<i32>} : memref<2x128xi32, #tpu.memory_space<vmem>>, vector<1x16xi32>,
    %add3A_401 = arith.constant 208 : i32
    %add3A_402 = arith.addi %mul3A_2, %add3A_401 : i32
    %iota3A_403 = tpu.iota {dimensions = array<i32: 0>} : vector<16xi32>
    %add3A_404 = vector.broadcast %add3A_402 : i32 to vector<16xi32>
    %add3A_405 = arith.addi %add3A_404, %iota3A_403 : vector<16xi32>
    %get3A_406 = arith.constant 208 : index
    %get3A_407 = tpu.vector_load %arg5[%get3A_406] {strides = array<i32>} : memref<256xi32, #tpu.memory_space<vmem>>, vector<16xi32>,
    %get3A_408 = vector.shape_cast %get3A_407 : vector<16xi32> to vector<16xi32>
    %shift_right_arithmetic3A_409 = arith.constant 3 : i32
    %shift_right_arithmetic3A_410 = vector.broadcast %shift_right_arithmetic3A_409 : i32 to vector<16xi32>
    %shift_right_arithmetic3A_411 = arith.shrsi %add3A_405, %shift_right_arithmetic3A_410 : vector<16xi32>
    %mul3A_412 = arith.constant 250 : i32
    %mul3A_413 = vector.broadcast %mul3A_412 : i32 to vector<16xi32>
    %mul3A_414 = arith.muli %shift_right_arithmetic3A_411, %mul3A_413 : vector<16xi32>
    %shift_right_arithmetic3A_415 = arith.constant 7 : i32
    %shift_right_arithmetic3A_416 = vector.broadcast %shift_right_arithmetic3A_415 : i32 to vector<16xi32>
    %shift_right_arithmetic3A_417 = arith.shrsi %get3A_408, %shift_right_arithmetic3A_416 : vector<16xi32>
    %add3A_418 = arith.addi %mul3A_414, %shift_right_arithmetic3A_417 : vector<16xi32>
    %mul3A_419 = arith.constant 8 : i32
    %mul3A_420 = vector.broadcast %mul3A_419 : i32 to vector<16xi32>
    %mul3A_421 = arith.muli %add3A_418, %mul3A_420 : vector<16xi32>
    %and3A_422 = arith.constant 7 : i32
    %and3A_423 = vector.broadcast %and3A_422 : i32 to vector<16xi32>
    %and3A_424 = arith.andi %add3A_405, %and3A_423 : vector<16xi32>
    %add3A_425 = arith.addi %mul3A_421, %and3A_424 : vector<16xi32>
    %swap3A_426 = arith.constant 1 : i32
    %swap3A_427 = arith.index_cast %swap3A_426 : i32 to index
    %swap3A_428 = arith.constant 80 : index
    %swap3A_429 = tpu.vector_load %arg6[%swap3A_427, %swap3A_428] {strides = array<i32>} : memref<2x128xi32, #tpu.memory_space<vmem>>, vector<1x16xi32>,
    %swap3A_430 = vector.shape_cast %swap3A_429 : vector<1x16xi32> to vector<16xi32>
    %swap3A_431 = vector.shape_cast %add3A_425 : vector<16xi32> to vector<1x16xi32>
    tpu.vector_store %arg6[%swap3A_427, %swap3A_428], %swap3A_431 {strides = array<i32>} : memref<2x128xi32, #tpu.memory_space<vmem>>, vector<1x16xi32>,
    %add3A_432 = arith.constant 224 : i32
    %add3A_433 = arith.addi %mul3A_2, %add3A_432 : i32
    %iota3A_434 = tpu.iota {dimensions = array<i32: 0>} : vector<16xi32>
    %add3A_435 = vector.broadcast %add3A_433 : i32 to vector<16xi32>
    %add3A_436 = arith.addi %add3A_435, %iota3A_434 : vector<16xi32>
    %get3A_437 = arith.constant 224 : index
    %get3A_438 = tpu.vector_load %arg5[%get3A_437] {strides = array<i32>} : memref<256xi32, #tpu.memory_space<vmem>>, vector<16xi32>,
    %get3A_439 = vector.shape_cast %get3A_438 : vector<16xi32> to vector<16xi32>
    %shift_right_arithmetic3A_440 = arith.constant 3 : i32
    %shift_right_arithmetic3A_441 = vector.broadcast %shift_right_arithmetic3A_440 : i32 to vector<16xi32>
    %shift_right_arithmetic3A_442 = arith.shrsi %add3A_436, %shift_right_arithmetic3A_441 : vector<16xi32>
    %mul3A_443 = arith.constant 250 : i32
    %mul3A_444 = vector.broadcast %mul3A_443 : i32 to vector<16xi32>
    %mul3A_445 = arith.muli %shift_right_arithmetic3A_442, %mul3A_444 : vector<16xi32>
    %shift_right_arithmetic3A_446 = arith.constant 7 : i32
    %shift_right_arithmetic3A_447 = vector.broadcast %shift_right_arithmetic3A_446 : i32 to vector<16xi32>
    %shift_right_arithmetic3A_448 = arith.shrsi %get3A_439, %shift_right_arithmetic3A_447 : vector<16xi32>
    %add3A_449 = arith.addi %mul3A_445, %shift_right_arithmetic3A_448 : vector<16xi32>
    %mul3A_450 = arith.constant 8 : i32
    %mul3A_451 = vector.broadcast %mul3A_450 : i32 to vector<16xi32>
    %mul3A_452 = arith.muli %add3A_449, %mul3A_451 : vector<16xi32>
    %and3A_453 = arith.constant 7 : i32
    %and3A_454 = vector.broadcast %and3A_453 : i32 to vector<16xi32>
    %and3A_455 = arith.andi %add3A_436, %and3A_454 : vector<16xi32>
    %add3A_456 = arith.addi %mul3A_452, %and3A_455 : vector<16xi32>
    %swap3A_457 = arith.constant 1 : i32
    %swap3A_458 = arith.index_cast %swap3A_457 : i32 to index
    %swap3A_459 = arith.constant 96 : index
    %swap3A_460 = tpu.vector_load %arg6[%swap3A_458, %swap3A_459] {strides = array<i32>} : memref<2x128xi32, #tpu.memory_space<vmem>>, vector<1x16xi32>,
    %swap3A_461 = vector.shape_cast %swap3A_460 : vector<1x16xi32> to vector<16xi32>
    %swap3A_462 = vector.shape_cast %add3A_456 : vector<16xi32> to vector<1x16xi32>
    tpu.vector_store %arg6[%swap3A_458, %swap3A_459], %swap3A_462 {strides = array<i32>} : memref<2x128xi32, #tpu.memory_space<vmem>>, vector<1x16xi32>,
    %add3A_463 = arith.constant 240 : i32
    %add3A_464 = arith.addi %mul3A_2, %add3A_463 : i32
    %iota3A_465 = tpu.iota {dimensions = array<i32: 0>} : vector<16xi32>
    %add3A_466 = vector.broadcast %add3A_464 : i32 to vector<16xi32>
    %add3A_467 = arith.addi %add3A_466, %iota3A_465 : vector<16xi32>
    %get3A_468 = arith.constant 240 : index
    %get3A_469 = tpu.vector_load %arg5[%get3A_468] {strides = array<i32>} : memref<256xi32, #tpu.memory_space<vmem>>, vector<16xi32>,
    %get3A_470 = vector.shape_cast %get3A_469 : vector<16xi32> to vector<16xi32>
    %shift_right_arithmetic3A_471 = arith.constant 3 : i32
    %shift_right_arithmetic3A_472 = vector.broadcast %shift_right_arithmetic3A_471 : i32 to vector<16xi32>
    %shift_right_arithmetic3A_473 = arith.shrsi %add3A_467, %shift_right_arithmetic3A_472 : vector<16xi32>
    %mul3A_474 = arith.constant 250 : i32
    %mul3A_475 = vector.broadcast %mul3A_474 : i32 to vector<16xi32>
    %mul3A_476 = arith.muli %shift_right_arithmetic3A_473, %mul3A_475 : vector<16xi32>
    %shift_right_arithmetic3A_477 = arith.constant 7 : i32
    %shift_right_arithmetic3A_478 = vector.broadcast %shift_right_arithmetic3A_477 : i32 to vector<16xi32>
    %shift_right_arithmetic3A_479 = arith.shrsi %get3A_470, %shift_right_arithmetic3A_478 : vector<16xi32>
    %add3A_480 = arith.addi %mul3A_476, %shift_right_arithmetic3A_479 : vector<16xi32>
    %mul3A_481 = arith.constant 8 : i32
    %mul3A_482 = vector.broadcast %mul3A_481 : i32 to vector<16xi32>
    %mul3A_483 = arith.muli %add3A_480, %mul3A_482 : vector<16xi32>
    %and3A_484 = arith.constant 7 : i32
    %and3A_485 = vector.broadcast %and3A_484 : i32 to vector<16xi32>
    %and3A_486 = arith.andi %add3A_467, %and3A_485 : vector<16xi32>
    %add3A_487 = arith.addi %mul3A_483, %and3A_486 : vector<16xi32>
    %swap3A_488 = arith.constant 1 : i32
    %swap3A_489 = arith.index_cast %swap3A_488 : i32 to index
    %swap3A_490 = arith.constant 112 : index
    %swap3A_491 = tpu.vector_load %arg6[%swap3A_489, %swap3A_490] {strides = array<i32>} : memref<2x128xi32, #tpu.memory_space<vmem>>, vector<1x16xi32>,
    %swap3A_492 = vector.shape_cast %swap3A_491 : vector<1x16xi32> to vector<16xi32>
    %swap3A_493 = vector.shape_cast %add3A_487 : vector<16xi32> to vector<1x16xi32>
    tpu.vector_store %arg6[%swap3A_489, %swap3A_490], %swap3A_493 {strides = array<i32>} : memref<2x128xi32, #tpu.memory_space<vmem>>, vector<1x16xi32>,
    %dma_start3A = arith.constant 0 : i32
    %dma_start3A_494 = arith.constant 0 : i32
    %dma_start3A_495 = tpu.memref_slice %arg6[%dma_start3A, %dma_start3A_494] : memref<2x128xi32, #tpu.memory_space<vmem>> -> memref<1x128xi32, #tpu.memory_space<vmem>>
    %dma_start3A_496 = tpu.memref_squeeze %dma_start3A_495 : memref<1x128xi32, #tpu.memory_space<vmem>> -> memref<128xi32, #tpu.memory_space<vmem>>
    %dma_start3A_497 = arith.constant 0 : i32
    %dma_start3A_498 = arith.constant 0 : i32
    %dma_start3A_499 = tpu.memref_slice %arg3[%dma_start3A_497, %dma_start3A_498] : memref<2048000x128xf32, #tpu.memory_space<hbm>> -> memref<2048000x128xf32, #tpu.memory_space<hbm>>
    tpu.enqueue_indirect_dma source(%dma_start3A_499 : memref<2048000x128xf32, #tpu.memory_space<hbm>>) target(%arg7 : memref<128x128xf32, #tpu.memory_space<vmem>>) offsets(%dma_start3A_496 : memref<128xi32, #tpu.memory_space<vmem>>) semaphore(%arg9 : memref<!tpu.dma_semaphore, #tpu.memory_space<semaphore_mem>>)
    %dma_start3A_500 = arith.constant 1 : i32
    %dma_start3A_501 = arith.constant 0 : i32
    %dma_start3A_502 = tpu.memref_slice %arg6[%dma_start3A_500, %dma_start3A_501] : memref<2x128xi32, #tpu.memory_space<vmem>> -> memref<1x128xi32, #tpu.memory_space<vmem>>
    %dma_start3A_503 = tpu.memref_squeeze %dma_start3A_502 : memref<1x128xi32, #tpu.memory_space<vmem>> -> memref<128xi32, #tpu.memory_space<vmem>>
    %dma_start3A_504 = arith.constant 0 : i32
    %dma_start3A_505 = arith.constant 0 : i32
    %dma_start3A_506 = tpu.memref_slice %arg3[%dma_start3A_504, %dma_start3A_505] : memref<2048000x128xf32, #tpu.memory_space<hbm>> -> memref<2048000x128xf32, #tpu.memory_space<hbm>>
    tpu.enqueue_indirect_dma source(%dma_start3A_506 : memref<2048000x128xf32, #tpu.memory_space<hbm>>) target(%arg8 : memref<128x128xf32, #tpu.memory_space<vmem>>) offsets(%dma_start3A_503 : memref<128xi32, #tpu.memory_space<vmem>>) semaphore(%arg9 : memref<!tpu.dma_semaphore, #tpu.memory_space<semaphore_mem>>)
    %dma_wait3A = arith.constant 0 : i32
    %dma_wait3A_507 = arith.constant 0 : i32
    %dma_wait3A_508 = tpu.memref_slice %arg6[%dma_wait3A, %dma_wait3A_507] : memref<2x128xi32, #tpu.memory_space<vmem>> -> memref<1x128xi32, #tpu.memory_space<vmem>>
    %dma_wait3A_509 = tpu.memref_squeeze %dma_wait3A_508 : memref<1x128xi32, #tpu.memory_space<vmem>> -> memref<128xi32, #tpu.memory_space<vmem>>
    %dma_wait3A_510 = arith.constant 0 : i32
    %dma_wait3A_511 = arith.constant 0 : i32
    %dma_wait3A_512 = tpu.memref_slice %arg3[%dma_wait3A_510, %dma_wait3A_511] : memref<2048000x128xf32, #tpu.memory_space<hbm>> -> memref<2048000x128xf32, #tpu.memory_space<hbm>>
    tpu.wait_indirect_dma semaphore(%arg9 : memref<!tpu.dma_semaphore, #tpu.memory_space<semaphore_mem>>) src(%dma_wait3A_512 : memref<2048000x128xf32, #tpu.memory_space<hbm>>) dst(%arg7 : memref<128x128xf32, #tpu.memory_space<vmem>>)
    %add3A_513 = arith.constant 0 : i32
    %add3A_514 = arith.addi %mul3A_2, %add3A_513 : i32
    "tpu.region"() ({
      %run_scoped3A = tpu.sem_alloc : memref<!tpu.dma_semaphore, #tpu.memory_space<semaphore_mem>>
      %dma_start3A_524 = arith.constant 0 : i32
      %dma_start3A_525 = tpu.memref_slice %arg4[%add3A_514, %dma_start3A_524] : memref<8192x128xf32, #tpu.memory_space<hbm>> -> memref<128x128xf32, #tpu.memory_space<hbm>>
      %dma_start3A_526 = arith.constant 0 : i32
      %dma_start3A_527 = tpu.memref_slice %arg4[%add3A_514, %dma_start3A_526] : memref<8192x128xf32, #tpu.memory_space<hbm>> -> memref<128x128xf32, #tpu.memory_space<hbm>>
      tpu.enqueue_dma source(%arg7 : memref<128x128xf32, #tpu.memory_space<vmem>>) target(%dma_start3A_527 : memref<128x128xf32, #tpu.memory_space<hbm>>) target_semaphore(%run_scoped3A : memref<!tpu.dma_semaphore, #tpu.memory_space<semaphore_mem>>)
      %dma_wait3A_528 = arith.constant 0 : i32
      %dma_wait3A_529 = tpu.memref_slice %arg4[%add3A_514, %dma_wait3A_528] : memref<8192x128xf32, #tpu.memory_space<hbm>> -> memref<128x128xf32, #tpu.memory_space<hbm>>
      %dma_wait3A_530 = arith.constant 0 : i32
      %dma_wait3A_531 = tpu.memref_slice %arg4[%add3A_514, %dma_wait3A_530] : memref<8192x128xf32, #tpu.memory_space<hbm>> -> memref<128x128xf32, #tpu.memory_space<hbm>>
      tpu.wait_dma2 semaphore(%run_scoped3A : memref<!tpu.dma_semaphore, #tpu.memory_space<semaphore_mem>>) src(%arg7 : memref<128x128xf32, #tpu.memory_space<vmem>>) dst(%dma_wait3A_531 : memref<128x128xf32, #tpu.memory_space<hbm>>)
      tpu.yield
    }) : () -> ()
    %dma_wait3A_515 = arith.constant 1 : i32
    %dma_wait3A_516 = arith.constant 0 : i32
    %dma_wait3A_517 = tpu.memref_slice %arg6[%dma_wait3A_515, %dma_wait3A_516] : memref<2x128xi32, #tpu.memory_space<vmem>> -> memref<1x128xi32, #tpu.memory_space<vmem>>
    %dma_wait3A_518 = tpu.memref_squeeze %dma_wait3A_517 : memref<1x128xi32, #tpu.memory_space<vmem>> -> memref<128xi32, #tpu.memory_space<vmem>>
    %dma_wait3A_519 = arith.constant 0 : i32
    %dma_wait3A_520 = arith.constant 0 : i32
    %dma_wait3A_521 = tpu.memref_slice %arg3[%dma_wait3A_519, %dma_wait3A_520] : memref<2048000x128xf32, #tpu.memory_space<hbm>> -> memref<2048000x128xf32, #tpu.memory_space<hbm>>
    tpu.wait_indirect_dma semaphore(%arg9 : memref<!tpu.dma_semaphore, #tpu.memory_space<semaphore_mem>>) src(%dma_wait3A_521 : memref<2048000x128xf32, #tpu.memory_space<hbm>>) dst(%arg8 : memref<128x128xf32, #tpu.memory_space<vmem>>)
    %add3A_522 = arith.constant 128 : i32
    %add3A_523 = arith.addi %mul3A_2, %add3A_522 : i32
    "tpu.region"() ({
      %run_scoped3A = tpu.sem_alloc : memref<!tpu.dma_semaphore, #tpu.memory_space<semaphore_mem>>
      %dma_start3A_524 = arith.constant 0 : i32
      %dma_start3A_525 = tpu.memref_slice %arg4[%add3A_523, %dma_start3A_524] : memref<8192x128xf32, #tpu.memory_space<hbm>> -> memref<128x128xf32, #tpu.memory_space<hbm>>
      %dma_start3A_526 = arith.constant 0 : i32
      %dma_start3A_527 = tpu.memref_slice %arg4[%add3A_523, %dma_start3A_526] : memref<8192x128xf32, #tpu.memory_space<hbm>> -> memref<128x128xf32, #tpu.memory_space<hbm>>
      tpu.enqueue_dma source(%arg8 : memref<128x128xf32, #tpu.memory_space<vmem>>) target(%dma_start3A_527 : memref<128x128xf32, #tpu.memory_space<hbm>>) target_semaphore(%run_scoped3A : memref<!tpu.dma_semaphore, #tpu.memory_space<semaphore_mem>>)
      %dma_wait3A_528 = arith.constant 0 : i32
      %dma_wait3A_529 = tpu.memref_slice %arg4[%add3A_523, %dma_wait3A_528] : memref<8192x128xf32, #tpu.memory_space<hbm>> -> memref<128x128xf32, #tpu.memory_space<hbm>>
      %dma_wait3A_530 = arith.constant 0 : i32
      %dma_wait3A_531 = tpu.memref_slice %arg4[%add3A_523, %dma_wait3A_530] : memref<8192x128xf32, #tpu.memory_space<hbm>> -> memref<128x128xf32, #tpu.memory_space<hbm>>
      tpu.wait_dma2 semaphore(%run_scoped3A : memref<!tpu.dma_semaphore, #tpu.memory_space<semaphore_mem>>) src(%arg8 : memref<128x128xf32, #tpu.memory_space<vmem>>) dst(%dma_wait3A_531 : memref<128x128xf32, #tpu.memory_space<hbm>>)
      tpu.yield
    }) : () -> ()
    return
  }
}

module attributes {stable_mosaic.version = 14 : i64} {
  func.func @_tc_body(%arg0: i32, %arg1: i32, %arg2: memref<512x6400xf32, #tpu.memory_space<vmem>>, %arg3: memref<512x1xi32, #tpu.memory_space<vmem>>, %arg4: memref<512x128xf32, #tpu.memory_space<vmem>>, %arg5: memref<1x1xf32, #tpu.memory_space<vmem>>, %arg6: memref<512x1xf32, #tpu.memory_space<vmem>>, %arg7: memref<512x1xf32, #tpu.memory_space<vmem>>, %arg8: memref<512x1xf32, #tpu.memory_space<vmem>>, %arg9: memref<512x1xf32, #tpu.memory_space<vmem>>, %arg10: memref<1x1xf32, #tpu.memory_space<smem>>, %arg11: memref<1x1xf32, #tpu.memory_space<smem>>) attributes {dimension_semantics = [#tpu.dimension_semantics<arbitrary>, #tpu.dimension_semantics<arbitrary>], iteration_bounds = array<i64: 16, 5>, scalar_prefetch = 0 : i64, scratch_operands = 6 : i64, tpu.core_type = #tpu.core_type<tc>, window_params = [{transform_indices = @transform_0, window_bounds = array<i64: 512, 6400>}, {transform_indices = @transform_1, window_bounds = array<i64: 512, 1>}, {transform_indices = @transform_2, window_bounds = array<i64: 512, 128>}, {pipeline_mode = #tpu.pipeline_mode<synchronous>, transform_indices = @transform_3, window_bounds = array<i64: 1, 1>}]} {
    %eq3A = arith.constant 0 : i32
    %eq3A_0 = arith.cmpi eq, %arg1, %eq3A : i32
    %convert_element_type3A = arith.extui %eq3A_0 : i1 to i32
    %cond3A = arith.constant 0 : i32
    %cond3A_1 = arith.cmpi ne, %convert_element_type3A, %cond3A : i32
    scf.if %cond3A_1 {
      %broadcast_in_dim3A_70 = arith.constant 0xFF800000 : f32
      %broadcast_in_dim3A_71 = vector.broadcast %broadcast_in_dim3A_70 : f32 to vector<512x1xf32>
      %swap3A_72 = arith.constant 0 : index
      %swap3A_73 = arith.constant 0 : index
      %swap3A_74 = vector.load %arg6[%swap3A_72, %swap3A_73] : memref<512x1xf32, #tpu.memory_space<vmem>>, vector<512x1xf32>
      tpu.vector_store %arg6[%swap3A_72, %swap3A_73], %broadcast_in_dim3A_71 {strides = array<i32>} : memref<512x1xf32, #tpu.memory_space<vmem>>, vector<512x1xf32>,
      %broadcast_in_dim3A_75 = arith.constant 0.000000e+00 : f32
      %broadcast_in_dim3A_76 = vector.broadcast %broadcast_in_dim3A_75 : f32 to vector<512x1xf32>
      %swap3A_77 = arith.constant 0 : index
      %swap3A_78 = arith.constant 0 : index
      %swap3A_79 = vector.load %arg7[%swap3A_77, %swap3A_78] : memref<512x1xf32, #tpu.memory_space<vmem>>, vector<512x1xf32>
      tpu.vector_store %arg7[%swap3A_77, %swap3A_78], %broadcast_in_dim3A_76 {strides = array<i32>} : memref<512x1xf32, #tpu.memory_space<vmem>>, vector<512x1xf32>,
      %broadcast_in_dim3A_80 = arith.constant 0.000000e+00 : f32
      %broadcast_in_dim3A_81 = vector.broadcast %broadcast_in_dim3A_80 : f32 to vector<512x1xf32>
      %swap3A_82 = arith.constant 0 : index
      %swap3A_83 = arith.constant 0 : index
      %swap3A_84 = vector.load %arg8[%swap3A_82, %swap3A_83] : memref<512x1xf32, #tpu.memory_space<vmem>>, vector<512x1xf32>
      tpu.vector_store %arg8[%swap3A_82, %swap3A_83], %broadcast_in_dim3A_81 {strides = array<i32>} : memref<512x1xf32, #tpu.memory_space<vmem>>, vector<512x1xf32>,
      %get3A_85 = arith.constant 0 : index
      %get3A_86 = arith.constant 0 : index
      %get3A_87 = vector.load %arg2[%get3A_85, %get3A_86] : memref<512x6400xf32, #tpu.memory_space<vmem>>, vector<512x1xf32>
      %swap3A_88 = arith.constant 0 : index
      %swap3A_89 = arith.constant 0 : index
      %swap3A_90 = vector.load %arg9[%swap3A_88, %swap3A_89] : memref<512x1xf32, #tpu.memory_space<vmem>>, vector<512x1xf32>
      tpu.vector_store %arg9[%swap3A_88, %swap3A_89], %get3A_87 {strides = array<i32>} : memref<512x1xf32, #tpu.memory_space<vmem>>, vector<512x1xf32>,
    } else {
    }
    %eq3A_2 = arith.constant 0 : i32
    %eq3A_3 = arith.cmpi eq, %arg0, %eq3A_2 : i32
    %eq3A_4 = arith.constant 0 : i32
    %eq3A_5 = arith.cmpi eq, %arg1, %eq3A_4 : i32
    %and3A = arith.andi %eq3A_3, %eq3A_5 : i1
    %convert_element_type3A_6 = arith.extui %and3A : i1 to i32
    %cond3A_7 = arith.constant 0 : i32
    %cond3A_8 = arith.cmpi ne, %convert_element_type3A_6, %cond3A_7 : i32
    scf.if %cond3A_8 {
      %swap3A_70 = arith.constant 0.000000e+00 : f32
      %swap3A_71 = arith.constant 0 : index
      %swap3A_72 = arith.constant 0 : index
      %swap3A_73 = memref.load %arg10[%swap3A_71, %swap3A_72] : memref<1x1xf32, #tpu.memory_space<smem>>
      memref.store %swap3A_70, %arg10[%swap3A_71, %swap3A_72] : memref<1x1xf32, #tpu.memory_space<smem>>
      %swap3A_74 = arith.constant 0.000000e+00 : f32
      %swap3A_75 = arith.constant 0 : index
      %swap3A_76 = arith.constant 0 : index
      %swap3A_77 = memref.load %arg11[%swap3A_75, %swap3A_76] : memref<1x1xf32, #tpu.memory_space<smem>>
      memref.store %swap3A_74, %arg11[%swap3A_75, %swap3A_76] : memref<1x1xf32, #tpu.memory_space<smem>>
    } else {
    }
    %get3A = arith.constant 0 : index
    %get3A_9 = arith.constant 0 : index
    %get3A_10 = vector.load %arg6[%get3A, %get3A_9] : memref<512x1xf32, #tpu.memory_space<vmem>>, vector<512x1xf32>
    %get3A_11 = arith.constant 0 : index
    %get3A_12 = arith.constant 0 : index
    %get3A_13 = vector.load %arg7[%get3A_11, %get3A_12] : memref<512x1xf32, #tpu.memory_space<vmem>>, vector<512x1xf32>
    %get3A_14 = arith.constant 0 : index
    %get3A_15 = arith.constant 0 : index
    %get3A_16 = vector.load %arg8[%get3A_14, %get3A_15] : memref<512x1xf32, #tpu.memory_space<vmem>>, vector<512x1xf32>
    %get3A_17 = arith.constant 0 : index
    %get3A_18 = arith.constant 0 : index
    %get3A_19 = vector.load %arg2[%get3A_17, %get3A_18] : memref<512x6400xf32, #tpu.memory_space<vmem>>, vector<512x1280xf32>
    %reduce_sum3A = arith.constant dense<0.000000e+00> : vector<512xf32>
    %reduce_sum3A_20 = vector.multi_reduction <add>, %get3A_19, %reduce_sum3A [1] : vector<512x1280xf32> to vector<512xf32>
    %broadcast_in_dim3A = vector.shape_cast %reduce_sum3A_20 : vector<512xf32> to vector<512x1xf32>
    %add3A = arith.addf %get3A_16, %broadcast_in_dim3A : vector<512x1xf32>
    %get3A_21 = arith.constant 0 : index
    %get3A_22 = arith.constant 1280 : index
    %get3A_23 = vector.load %arg2[%get3A_21, %get3A_22] : memref<512x6400xf32, #tpu.memory_space<vmem>>, vector<512x1280xf32>
    %reduce_sum3A_24 = arith.constant dense<0.000000e+00> : vector<512xf32>
    %reduce_sum3A_25 = vector.multi_reduction <add>, %get3A_23, %reduce_sum3A_24 [1] : vector<512x1280xf32> to vector<512xf32>
    %broadcast_in_dim3A_26 = vector.shape_cast %reduce_sum3A_25 : vector<512xf32> to vector<512x1xf32>
    %add3A_27 = arith.addf %add3A, %broadcast_in_dim3A_26 : vector<512x1xf32>
    %get3A_28 = arith.constant 0 : index
    %get3A_29 = arith.constant 2560 : index
    %get3A_30 = vector.load %arg2[%get3A_28, %get3A_29] : memref<512x6400xf32, #tpu.memory_space<vmem>>, vector<512x1280xf32>
    %reduce_sum3A_31 = arith.constant dense<0.000000e+00> : vector<512xf32>
    %reduce_sum3A_32 = vector.multi_reduction <add>, %get3A_30, %reduce_sum3A_31 [1] : vector<512x1280xf32> to vector<512xf32>
    %broadcast_in_dim3A_33 = vector.shape_cast %reduce_sum3A_32 : vector<512xf32> to vector<512x1xf32>
    %add3A_34 = arith.addf %add3A_27, %broadcast_in_dim3A_33 : vector<512x1xf32>
    %get3A_35 = arith.constant 0 : index
    %get3A_36 = arith.constant 3840 : index
    %get3A_37 = vector.load %arg2[%get3A_35, %get3A_36] : memref<512x6400xf32, #tpu.memory_space<vmem>>, vector<512x1280xf32>
    %reduce_sum3A_38 = arith.constant dense<0.000000e+00> : vector<512xf32>
    %reduce_sum3A_39 = vector.multi_reduction <add>, %get3A_37, %reduce_sum3A_38 [1] : vector<512x1280xf32> to vector<512xf32>
    %broadcast_in_dim3A_40 = vector.shape_cast %reduce_sum3A_39 : vector<512xf32> to vector<512x1xf32>
    %add3A_41 = arith.addf %add3A_34, %broadcast_in_dim3A_40 : vector<512x1xf32>
    %get3A_42 = arith.constant 0 : index
    %get3A_43 = arith.constant 5120 : index
    %get3A_44 = vector.load %arg2[%get3A_42, %get3A_43] : memref<512x6400xf32, #tpu.memory_space<vmem>>, vector<512x1280xf32>
    %reduce_sum3A_45 = arith.constant dense<0.000000e+00> : vector<512xf32>
    %reduce_sum3A_46 = vector.multi_reduction <add>, %get3A_44, %reduce_sum3A_45 [1] : vector<512x1280xf32> to vector<512xf32>
    %broadcast_in_dim3A_47 = vector.shape_cast %reduce_sum3A_46 : vector<512xf32> to vector<512x1xf32>
    %add3A_48 = arith.addf %add3A_41, %broadcast_in_dim3A_47 : vector<512x1xf32>
    %swap3A = arith.constant 0 : index
    %swap3A_49 = arith.constant 0 : index
    %swap3A_50 = vector.load %arg6[%swap3A, %swap3A_49] : memref<512x1xf32, #tpu.memory_space<vmem>>, vector<512x1xf32>
    tpu.vector_store %arg6[%swap3A, %swap3A_49], %get3A_10 {strides = array<i32>} : memref<512x1xf32, #tpu.memory_space<vmem>>, vector<512x1xf32>,
    %swap3A_51 = arith.constant 0 : index
    %swap3A_52 = arith.constant 0 : index
    %swap3A_53 = vector.load %arg7[%swap3A_51, %swap3A_52] : memref<512x1xf32, #tpu.memory_space<vmem>>, vector<512x1xf32>
    tpu.vector_store %arg7[%swap3A_51, %swap3A_52], %get3A_13 {strides = array<i32>} : memref<512x1xf32, #tpu.memory_space<vmem>>, vector<512x1xf32>,
    %swap3A_54 = arith.constant 0 : index
    %swap3A_55 = arith.constant 0 : index
    %swap3A_56 = vector.load %arg8[%swap3A_54, %swap3A_55] : memref<512x1xf32, #tpu.memory_space<vmem>>, vector<512x1xf32>
    tpu.vector_store %arg8[%swap3A_54, %swap3A_55], %add3A_48 {strides = array<i32>} : memref<512x1xf32, #tpu.memory_space<vmem>>, vector<512x1xf32>,
    %eq3A_57 = arith.constant 4 : i32
    %eq3A_58 = arith.cmpi eq, %arg1, %eq3A_57 : i32
    %convert_element_type3A_59 = arith.extui %eq3A_58 : i1 to i32
    %cond3A_60 = arith.constant 0 : i32
    %cond3A_61 = arith.cmpi ne, %convert_element_type3A_59, %cond3A_60 : i32
    scf.if %cond3A_61 {
      %get3A_70 = arith.constant 0 : index
      %get3A_71 = arith.constant 0 : index
      %get3A_72 = vector.load %arg3[%get3A_70, %get3A_71] : memref<512x1xi32, #tpu.memory_space<vmem>>, vector<512x1xi32>
      %get3A_73 = arith.constant 0 : index
      %get3A_74 = arith.constant 0 : index
      %get3A_75 = vector.load %arg4[%get3A_73, %get3A_74] : memref<512x128xf32, #tpu.memory_space<vmem>>, vector<512x128xf32>
      %and3A_76 = arith.constant 127 : i32
      %and3A_77 = vector.broadcast %and3A_76 : i32 to vector<512x1xi32>
      %and3A_78 = arith.andi %get3A_72, %and3A_77 : vector<512x1xi32>
      %iota3A = tpu.iota {dimensions = array<i32: 1>} : vector<512x128xi32>
      %eq3A_79 = vector.broadcast %and3A_78 : vector<512x1xi32> to vector<512x128xi32>
      %eq3A_80 = arith.cmpi eq, %iota3A, %eq3A_79 : vector<512x128xi32>
      %jit3A = arith.constant 0.000000e+00 : f32
      %broadcast_in_dim3A_81 = vector.broadcast %jit3A : f32 to vector<512x128xf32>
      %select_n3A = arith.select %eq3A_80, %get3A_75, %broadcast_in_dim3A_81 : vector<512x128xi1>, vector<512x128xf32>
      %reduce_sum3A_82 = arith.constant dense<0.000000e+00> : vector<512xf32>
      %reduce_sum3A_83 = vector.multi_reduction <add>, %select_n3A, %reduce_sum3A_82 [1] : vector<512x128xf32> to vector<512xf32>
      %broadcast_in_dim3A_84 = vector.shape_cast %reduce_sum3A_83 : vector<512xf32> to vector<512x1xf32>
      %get3A_85 = arith.constant 0 : index
      %get3A_86 = arith.constant 0 : index
      %get3A_87 = vector.load %arg6[%get3A_85, %get3A_86] : memref<512x1xf32, #tpu.memory_space<vmem>>, vector<512x1xf32>
      %get3A_88 = arith.constant 0 : index
      %get3A_89 = arith.constant 0 : index
      %get3A_90 = vector.load %arg7[%get3A_88, %get3A_89] : memref<512x1xf32, #tpu.memory_space<vmem>>, vector<512x1xf32>
      %log3A = math.log %get3A_90 : vector<512x1xf32>
      %add3A_91 = arith.addf %get3A_87, %log3A : vector<512x1xf32>
      %get3A_92 = arith.constant 0 : index
      %get3A_93 = arith.constant 0 : index
      %get3A_94 = vector.load %arg8[%get3A_92, %get3A_93] : memref<512x1xf32, #tpu.memory_space<vmem>>, vector<512x1xf32>
      %get3A_95 = arith.constant 0 : index
      %get3A_96 = arith.constant 0 : index
      %get3A_97 = vector.load %arg9[%get3A_95, %get3A_96] : memref<512x1xf32, #tpu.memory_space<vmem>>, vector<512x1xf32>
      %sub3A = arith.subf %get3A_94, %get3A_97 : vector<512x1xf32>
      %sub3A_98 = arith.subf %sub3A, %broadcast_in_dim3A_84 : vector<512x1xf32>
      %mul3A = arith.constant 3.12519524E-6 : f32
      %mul3A_99 = vector.broadcast %mul3A : f32 to vector<512x1xf32>
      %mul3A_100 = arith.mulf %mul3A_99, %sub3A_98 : vector<512x1xf32>
      %sub3A_101 = arith.subf %add3A_91, %mul3A_100 : vector<512x1xf32>
      %mul3A_102 = arith.constant 0.899999976 : f32
      %mul3A_103 = vector.broadcast %mul3A_102 : f32 to vector<512x1xf32>
      %mul3A_104 = arith.mulf %mul3A_103, %broadcast_in_dim3A_84 : vector<512x1xf32>
      %sub3A_105 = arith.subf %sub3A_101, %mul3A_104 : vector<512x1xf32>
      %ne3A = arith.constant 0 : i32
      %ne3A_106 = vector.broadcast %ne3A : i32 to vector<512x1xi32>
      %ne3A_107 = arith.cmpi ne, %get3A_72, %ne3A_106 : vector<512x1xi32>
      %convert_element_type3A_108 = arith.extui %ne3A_107 : vector<512x1xi1> to vector<512x1xi32>
      %convert_element_type3A_109 = arith.sitofp %convert_element_type3A_108 : vector<512x1xi32> to vector<512x1xf32>
      %get3A_110 = arith.constant 0 : index
      %get3A_111 = arith.constant 0 : index
      %get3A_112 = memref.load %arg10[%get3A_110, %get3A_111] : memref<1x1xf32, #tpu.memory_space<smem>>
      %mul3A_113 = arith.mulf %sub3A_105, %convert_element_type3A_109 : vector<512x1xf32>
      %reduce_sum3A_114 = vector.shape_cast %mul3A_113 : vector<512x1xf32> to vector<1x512x1xf32>
      %reduce_sum3A_115 = arith.constant dense<0.000000e+00> : vector<1xf32>
      %reduce_sum3A_116 = vector.multi_reduction <add>, %reduce_sum3A_114, %reduce_sum3A_115 [1, 2] : vector<1x512x1xf32> to vector<1xf32>
      %reduce_sum3A_117 = vector.shape_cast %reduce_sum3A_116 : vector<1xf32> to vector<1x1x1xf32>
      %reduce_sum3A_118 = vector.extract %reduce_sum3A_117[0, 0, 0] : f32 from vector<1x1x1xf32>
      %add3A_119 = arith.addf %get3A_112, %reduce_sum3A_118 : f32
      %swap3A_120 = arith.constant 0 : index
      %swap3A_121 = arith.constant 0 : index
      %swap3A_122 = memref.load %arg10[%swap3A_120, %swap3A_121] : memref<1x1xf32, #tpu.memory_space<smem>>
      memref.store %add3A_119, %arg10[%swap3A_120, %swap3A_121] : memref<1x1xf32, #tpu.memory_space<smem>>
      %get3A_123 = arith.constant 0 : index
      %get3A_124 = arith.constant 0 : index
      %get3A_125 = memref.load %arg11[%get3A_123, %get3A_124] : memref<1x1xf32, #tpu.memory_space<smem>>
      %reduce_sum3A_126 = vector.shape_cast %convert_element_type3A_109 : vector<512x1xf32> to vector<1x512x1xf32>
      %reduce_sum3A_127 = arith.constant dense<0.000000e+00> : vector<1xf32>
      %reduce_sum3A_128 = vector.multi_reduction <add>, %reduce_sum3A_126, %reduce_sum3A_127 [1, 2] : vector<1x512x1xf32> to vector<1xf32>
      %reduce_sum3A_129 = vector.shape_cast %reduce_sum3A_128 : vector<1xf32> to vector<1x1x1xf32>
      %reduce_sum3A_130 = vector.extract %reduce_sum3A_129[0, 0, 0] : f32 from vector<1x1x1xf32>
      %add3A_131 = arith.addf %get3A_125, %reduce_sum3A_130 : f32
      %swap3A_132 = arith.constant 0 : index
      %swap3A_133 = arith.constant 0 : index
      %swap3A_134 = memref.load %arg11[%swap3A_132, %swap3A_133] : memref<1x1xf32, #tpu.memory_space<smem>>
      memref.store %add3A_131, %arg11[%swap3A_132, %swap3A_133] : memref<1x1xf32, #tpu.memory_space<smem>>
    } else {
    }
    %eq3A_62 = arith.constant 15 : i32
    %eq3A_63 = arith.cmpi eq, %arg0, %eq3A_62 : i32
    %eq3A_64 = arith.constant 4 : i32
    %eq3A_65 = arith.cmpi eq, %arg1, %eq3A_64 : i32
    %and3A_66 = arith.andi %eq3A_63, %eq3A_65 : i1
    %convert_element_type3A_67 = arith.extui %and3A_66 : i1 to i32
    %cond3A_68 = arith.constant 0 : i32
    %cond3A_69 = arith.cmpi ne, %convert_element_type3A_67, %cond3A_68 : i32
    scf.if %cond3A_69 {
      %get3A_70 = arith.constant 0 : index
      %get3A_71 = arith.constant 0 : index
      %get3A_72 = memref.load %arg10[%get3A_70, %get3A_71] : memref<1x1xf32, #tpu.memory_space<smem>>
      %get3A_73 = arith.constant 0 : index
      %get3A_74 = arith.constant 0 : index
      %get3A_75 = memref.load %arg11[%get3A_73, %get3A_74] : memref<1x1xf32, #tpu.memory_space<smem>>
      %max3A = arith.constant 1.000000e+00 : f32
      %max3A_76 = arith.maximumf %get3A_75, %max3A : f32
      %div3A = arith.divf %get3A_72, %max3A_76 : f32
      %broadcast_in_dim3A_77 = vector.broadcast %div3A : f32 to vector<1x1xf32>
      %swap3A_78 = arith.constant 0 : index
      %swap3A_79 = arith.constant 0 : index
      %swap3A_80 = vector.load %arg5[%swap3A_78, %swap3A_79] : memref<1x1xf32, #tpu.memory_space<vmem>>, vector<1x1xf32>
      tpu.vector_store %arg5[%swap3A_78, %swap3A_79], %broadcast_in_dim3A_77 {strides = array<i32>} : memref<1x1xf32, #tpu.memory_space<vmem>>, vector<1x1xf32>,
    } else {
    }
    return
  }
  func.func @transform_0(%arg0: i32, %arg1: i32) -> (i32, i32) {
    %c0_i32 = arith.constant 0 : i32
    return %arg0, %arg1 : i32, i32
  }
  func.func @transform_1(%arg0: i32, %arg1: i32) -> (i32, i32) {
    %c0_i32 = arith.constant 0 : i32
    %c0_i32_0 = arith.constant 0 : i32
    return %arg0, %c0_i32 : i32, i32
  }
  func.func @transform_2(%arg0: i32, %arg1: i32) -> (i32, i32) {
    %c0_i32 = arith.constant 0 : i32
    %c0_i32_0 = arith.constant 0 : i32
    return %arg0, %c0_i32 : i32, i32
  }
  func.func @transform_3(%arg0: i32, %arg1: i32) -> (i32, i32) {
    %c0_i32 = arith.constant 0 : i32
    %c0_i32_0 = arith.constant 0 : i32
    %c0_i32_1 = arith.constant 0 : i32
    return %c0_i32, %c0_i32_0 : i32, i32
  }
}

</mosaic_0001>

<sc_bundles>
// kernel: kernel.4.cloned.1.call-start
scs
__scs_entry_jumppad:
0x0: {  	(pc) =	sbr.rel $0x88, $3  }
0x1: {  	(tag) =	ssettag $0x0;
	lr =	simm.s32 $0x1  }
0x2: {  	[smem:$0x3F9F] =	sst lr;
	_ =	strace $0xD0000000  }
0x3: {  	_ = 	snop  }
0x4: {  	_ = 	snop  }
0x5: {  	_ = 	snop  }
0x6: {  	_ = 	snop  }
0x7: {  	_ = 	snop  }
__scs_overlays_trampoline_lowered:
0x8: {  	[smem:$0x3FAE] =	sst s0  }
0x9: {  	[smem:$0x3FAF] =	sst s1  }
0xa: {  	[smem:$0x3FB0] =	sst s2  }
0xb: {  	[smem:$0x3FB1] =	sst s3  }
0xc: {  	[smem:$0x3FB2] =	sst s4  }
0xd: {  	[smem:$0x3FB3] =	sst s5  }
0xe: {  	[smem:$0x3FB4] =	sst s6  }
0xf: {  	[smem:$0x3FB5] =	sst s7  }
0x10: {  	[smem:$0x3FB6] =	sst s8  }
0x11: {  	[smem:$0x3FB7] =	sst s9;
	s0 =	simm.s32 @!p0 $0x0  }
0x12: {  	s1 =	sld [smem:$0x3F9D];
	s0 =	simm.s32 @p0 $0x1  }
0x13: {  	[smem:$0x3FB8] =	sst s0;
	s0 =	simm.s32 @!p1 $0x0  }
0x14: {  	s2 =	sld [smem:$0x3F9C];
	s0 =	simm.s32 @p1 $0x1  }
0x15: {  	[smem:$0x3FB9] =	sst s0;
	s0 =	simm.s32 @!p2 $0x0  }
0x16: {  	s3 =	sld [smem:$0x3FDB];
	s0 =	simm.s32 @p2 $0x1  }
0x17: {  	s4 =	simm.s32 $0x1BF5;
	[smem:$0x3FBB] =	sst s0  }
0x18: {  	s0 =	sld [smem:$0x3F9E];
	_ =	swait.ge [sflag:s4], $0x0  }
0x19: {  	s7 =	sld [smem:$0x3F9F]  }
0x1a: {  	s8 =	sadd.s32 $0xFFFFE003, lr  }
0x1b: {  	s9 =	sadd.s32 $0xFFFFFEF7, lr;
	s5 =	simm.s32 $0xFFFFFFFF;
	p2 =	slt.u32 s8, $0xFFFFF086  }
0x1c: {  	p1 =	slt.u32 s9, $0xF7A;
	s5 =	simm.s32 @!p2 $0x0  }
0x1d: {  	s5 =	simm.s32 @p1 $0x1;
	p0 =	seq.s32 s7, s2  }
0x1e: {  	s7 =	smul.u32 @!p0 $0xF7A, s2;
	p2 =	seq.s32 @!p0 s5, $0x0  }
0x1f: {  	s9 =	smul.u32 $0xF7A, s1;
	s8 =	simm.s32 @!p0 $0x1BF5;
	p2 =	por !p2, p0  }
0x20: {  	[sflag:s8] =	ssyncset.s32 @!p0 $0xFFFFF086;
	s6 =	sadd.s32 @!p0 s3, s7;
	s7 =	simm.s32 @!p0 $0x108  }
0x21: {  	s3 =	sadd.s32 s3, s9;
	s6 =	sadd.s32 @!p0 $0x88, s6;
	s7 =	simm.s32 @p2 $0x1082  }
0x22: {  	[simem:s7], [sflag:s8] =	dma.local @!p0 [hbm:s6], $0xF7A  }
0x23: {  	s9 =	sor.u32 $0xD0000000, s2;
	s6 =	simm.s32 $0x108;
	_ =	swait.ge @!p0 [sflag:s8], $0x0  }
0x24: {  	s3 =	sadd.s32 $0x88, s3;
	s6 =	simm.s32 @!p1 $0x1082;
	[sflag:s4] =	ssyncset.s32 $0xFFFFF086  }
0x25: {  	[simem:s6], [sflag:s4] =	dma.local [hbm:s3], $0xF7A  }
0x26: {  	[smem:$0x3F9F] =	sst s1;
	(tag) =	ssettag s2;
	_ =	strace s9  }
0x27: {  	s1 =	sld [smem:$0x3FAF]  }
0x28: {  	s2 =	sld [smem:$0x3FB0]  }
0x29: {  	s4 =	sld [smem:$0x3FB2]  }
0x2a: {  	p0 =	seq.s32 s5, $0x0;
	s5 =	sld [smem:$0x3FB3]  }
0x2b: {  	s6 =	sld [smem:$0x3FB4]  }
0x2c: {  	s7 =	sld [smem:$0x3FB5]  }
0x2d: {  	s3 =	simm.s32 $0x108;
	s8 =	sld [smem:$0x3FB6]  }
0x2e: {  	s3 =	simm.s32 @!p0 $0x1082;
	s9 =	sld [smem:$0x3FB7]  }
0x2f: {  	lr =	sadd.s32 s0, s3;
	s0 =	sld [smem:$0x3FAE]  }
0x30: {  	s3 =	sld [smem:$0x3FB1]  }
0x31: {  	[smem:$0x3FBA] =	sst s10  }
0x32: {  	s10 =	sld [smem:$0x3FB8];
	_ =	sdelay $0x3  }
0x33: {  	p0 =	seq.s32 s10, $0x1;
	s10 =	sld [smem:$0x3FBA];
	_ =	sdelay $0x3  }
0x34: {  	[smem:$0x3FBA] =	sst s10  }
0x35: {  	s10 =	sld [smem:$0x3FB9];
	_ =	sdelay $0x3  }
0x36: {  	p1 =	seq.s32 s10, $0x1;
	s10 =	sld [smem:$0x3FBA];
	_ =	sdelay $0x3  }
0x37: {  	[smem:$0x3FBA] =	sst s10  }
0x38: {  	s10 =	sld [smem:$0x3FBB]  }
0x39: {  	_ = 	snop;
	(pc) =	sbr.ind lr, $3  }
0x3a: {  	_ = 	snop  }
0x3b: {  	_ = 	snop  }
0x3c: {  	p2 =	seq.s32 s10, $0x1;
	s10 =	sld [smem:$0x3FBA]  }
0x3d: {  	_ =	shalt  }
0x3e: {  	_ =	shalt  }
0x3f: {  	_ =	shalt  }
0x40: {  	_ =	shalt  }
0x41: {  	_ =	shalt  }
0x42: {  	_ =	shalt  }
0x43: {  	_ =	shalt  }
0x44: {  	_ =	shalt  }
0x45: {  	_ =	shalt  }
0x46: {  	_ =	shalt  }
0x47: {  	_ =	shalt  }
0x48: {  	_ =	shalt  }
0x49: {  	_ =	shalt  }
0x4a: {  	_ =	shalt  }
0x4b: {  	_ =	shalt  }
0x4c: {  	_ =	shalt  }
0x4d: {  	_ =	shalt  }
0x4e: {  	_ =	shalt  }
0x4f: {  	_ =	shalt  }
0x50: {  	_ =	shalt  }
0x51: {  	_ =	shalt  }
0x52: {  	_ =	shalt  }
0x53: {  	_ =	shalt  }
0x54: {  	_ =	shalt  }
0x55: {  	_ =	shalt  }
0x56: {  	_ =	shalt  }
0x57: {  	_ =	shalt  }
0x58: {  	_ =	shalt  }
0x59: {  	_ =	shalt  }
0x5a: {  	_ =	shalt  }
0x5b: {  	_ =	shalt  }
0x5c: {  	_ =	shalt  }
0x5d: {  	_ =	shalt  }
0x5e: {  	_ =	shalt  }
0x5f: {  	_ =	shalt  }
0x60: {  	_ =	shalt  }
0x61: {  	_ =	shalt  }
0x62: {  	_ =	shalt  }
0x63: {  	_ =	shalt  }
0x64: {  	_ =	shalt  }
0x65: {  	_ =	shalt  }
0x66: {  	_ =	shalt  }
0x67: {  	_ =	shalt  }
0x68: {  	_ =	shalt  }
0x69: {  	_ =	shalt  }
0x6a: {  	_ =	shalt  }
0x6b: {  	_ =	shalt  }
0x6c: {  	_ =	shalt  }
0x6d: {  	_ =	shalt  }
0x6e: {  	_ =	shalt  }
0x6f: {  	_ =	shalt  }
0x70: {  	_ =	shalt  }
0x71: {  	_ =	shalt  }
0x72: {  	_ =	shalt  }
0x73: {  	_ =	shalt  }
0x74: {  	_ =	shalt  }
0x75: {  	_ =	shalt  }
0x76: {  	_ =	shalt  }
0x77: {  	_ =	shalt  }
0x78: {  	_ =	shalt  }
0x79: {  	_ =	shalt  }
0x7a: {  	_ =	shalt  }
0x7b: {  	_ =	shalt  }
0x7c: {  	_ =	shalt  }
0x7d: {  	_ =	shalt  }
0x7e: {  	_ =	shalt  }
0x7f: {  	_ =	shalt  }
0x80: {  	_ =	shalt  }
0x81: {  	_ =	shalt  }
0x82: {  	_ =	shalt  }
0x83: {  	_ =	shalt  }
0x84: {  	_ =	shalt  }
0x85: {  	_ =	shalt  }
0x86: {  	_ =	shalt  }
0x87: {  	_ =	shalt  }
.Lfunc_end0:
.L_simem_size_0:
called_computation_lowered:
.L_overlay_start_0:
0x88: {  	s2 =	sld [smem:$0x3FD9]  }
0x89: {  	s3 =	sld [smem:$0x3FFE];
	_ =	sdelay $0x1  }
0x8a: {  	s1 =	srdreg.scid  }
0x8b: {  	s0 =	sand.u32 $0x1, s1  }
0x8c: {  	s17 =	sshll.u32 s0, $0xA;
	s2 =	sadd.s32 s3, s2  }
0x8d: {  	s2 =	sadd.s32 s2, s17  }
0x8e: {  	[smem:$0x3FC6] =	sst s2  }
0x8f: {  	_ = 	snop  }
0x90: {  	s2 =	sld [smem:$0x3FC9]  }
0x91: {  	s18 =	sld [smem:$0x3FC8];
	(tm) =	ssettm $0x1  }
0x92: {  	s4 =	sld [smem:$0x3FFB];
	_ =	sdelay $0x3  }
0x93: {  	_ =	strace s4  }
0x94: {  	s4 =	sld [smem:$0x3FFC];
	_ =	sdelay $0x3  }
0x95: {  	_ =	strace s4  }
0x96: {  	s4 =	sld [smem:$0x3FFD];
	_ =	sdelay $0x3  }
0x97: {  	_ =	strace s4  }
0x98: {  	_ =	strace $0x8FFFFFFF  }
0x99: {  	s19 =	sld [smem:$0x3FDB];
	_ =	sdelay $0x1  }
0x9a: {  	s5 =	simm.s32 $_scs_section_size  }
0x9b: {  	s6 =	simm.s32 $_size__tile_overlayer_lowered;
	s7 =	simm.s32 $_tile_overlayer_lowered  }
0x9c: {  	s22 =	simm.s32 $0x1BFF;
	s21 =	sshll.u32 s7, $0x1;
	s4 =	sadd.s32 s5, s19  }
0x9d: {  	s8 =	simm.s32 $0x0;
	s20 =	sshll.u32 s6, $0x1;
	s6 =	sadd.s32 s21, s4  }
0x9e: {  	[timem:s8], [sflag:s22] =	dma.local [hbm:s6], s20  }
0x9f: {  	_ =	swait.ge [sflag:s22], s20  }
0xa0: {  	s5 =	ssub.s32 $0x0, s20;
	[sflag:s22] =	ssyncset.done $0x0  }
0xa1: {  	[sflag:s22] =	ssyncadd.s32 s5;
	_ =	sdelay $0x1  }
0xa2: {  	s23 =	simm.s32 $0x1B8B  }
0xa3: {  	_ =	swait.ge [sflag:s23], $0x1  }
0xa4: {  	[sflag:s23] =	ssyncset.done $0x0  }
0xa5: {  	s25 =	simm.s32 $0x1B8E;
	s24 =	sld [smem:$0x3FFE];
	[sflag:s23] =	ssyncadd.s32 $0xFFFFFFFF  }
0xa6: {  	s26 =	simm.s32 $execute0_lowered;
	[smem:$0x3FD2] =	sst s25  }
0xa7: {  	s6 =	sshll.u32 s26, $0x1;
	_ =	strace $0x80000046;
	[dreg:$0x1] =	wrdreg $0xFFFFFFFF  }
0xa8: {  	s28 =	simm.s32 $_size_execute0_lowered;
	s4 =	sadd.s32 s4, s6;
	[dreg:$0x0] =	wrdreg $0x0  }
0xa9: {  	s6 =	sshll.u32 s28, $0x1;
	[dreg:$0x2] =	wrdreg s4  }
0xaa: {  	[dreg:$0x3] =	wrdreg s6  }
0xab: {  	[dreg:$0x4] =	wrdreg $0xC0  }
0xac: {  	_ =	task [dreg:s8], $0x5FFFF  }
0xad: {  	[dreg:$0x1] =	wrdreg $0xFFFFFFFF  }
0xae: {  	[dreg:$0x0] =	wrdreg $0x60  }
0xaf: {  	[dreg:$0x2] =	wrdreg s18  }
0xb0: {  	[dreg:$0x3] =	wrdreg s2  }
0xb1: {  	[dreg:$0x4] =	wrdreg s24  }
0xb2: {  	[dreg:$0x5] =	wrdreg $0x9  }
0xb3: {  	_ =	task.clear_ibuf [dreg:s8], $0x6FFFF;
	_ =	strace $0x90000046  }
0xb4: {  	s29 =	simm.s32 $0x9;
	_ =	strace $0x80000048  }
0xb5: {  	_ =	swait.ge [sflag:s29], $0x1  }
0xb6: {  	[sflag:s29] =	ssyncadd.s32 $0xFFFFFFFF  }
0xb7: {  	_ =	strace $0x90000048  }
0xb8: {  	_ =	sfence  }
0xb9: {  	s30 =	sld [smem:$0x0];
	_ =	sdelay $0x2  }
0xba: {  	s31 =	sshll.u32 s1, $0xD;
	s1 =	sshrl.u32 s1, $0x2  }
0xbb: {  	s3 =	sand.u32 $0x4000, s31;
	s1 =	sadd.s32 s1, s30  }
0xbc: {  	s0 =	sor.u32 s3, s0;
	s1 =	sshll.u32 s1, $0x11  }
0xbd: {  	s0 =	sor.u32 s1, s0  }
0xbe: {  	s0 =	sadd.s32 $0x8F2B, s0  }
0xbf: {  	[sflag:s0] =	ssyncadd.remote.s32 $0x1  }
0xc0: {  	_ =	sfence.sel $0xFFFF  }
0xc1: {  	[dreg:$0x0] =	wrdreg $0xFFFFFFFF;
	(pc) =	sbr.abs _section_cstart, $3  }
0xc2: {  	[dreg:$0x1] =	wrdreg $0xFFFFFFFF  }
0xc3: {  	_ =	task.clear_ibuf [dreg:s8], $0x2FFFF;
	_ =	strace $0x9FFFFFFF  }
0xc4: {  	(tm) =	ssettm $0x7FFFFFFF  }
0xc5: {  	_ =	shalt  }
tec
execute0_lowered:
.L_overlay_start_1:
0x0: {  	(tag) =	ssettag $0x1  }
0x1: {  	s1 =	srdreg.scid  }
0x2: {  	s0 =	stileid.u32;
	s5 =	sand.u32 $0x1, s1  }
0x3: {  	s16 =	sshll.u32 s0, $0x9;
	s2 =	sshll.u32 s5, $0x8  }
0x4: {  	v7 =	vlaneseq.u32;
	s4 =	sor.u32 s2, s16  }
0x5: {  	v0 =	vor.u32 s4, v7;
	s1 =	sor.u32 $0x10, s4;
	s17 =	sor.u32 $0x20, s4  }
0x6: {  	s2 =	sor.u32 $0x30, s4;
	s8 =	sor.u32 $0x50, s4;
	v0 =	vshrl.u32 v0, $0x3;
	v1 =	vor.u32 s1, v7;
	v3 =	vor.u32 s17, v7  }
0x7: {  	v4 =	vor.u32 s2, v7;
	v5 =	vor.u32 s8, v7;
	v1 =	vshrl.u32 v1, $0x3  }
0x8: {  	s18 =	sor.u32 $0x40, s4;
	v2 =	vmul.u32 $0xFA, v1;
	v1 =	vshrl.u32 v3, $0x3;
	v3 =	vshrl.u32 v4, $0x3  }
0x9: {  	s6 =	rddreg [dreg:$0x0];
	s9 =	sor.u32 $0x60, s4;
	s25 =	sor.u32 $0xB0, s4;
	v4 =	vmul.u32 $0xFA, v1;
	v1 =	vmul.u32 $0xFA, v3;
	v3 =	vor.u32 s18, v7  }
0xa: {  	s7 =	rddreg [dreg:$0x2];
	s3 =	simm.s32 $0x0;
	s26 =	sor.u32 $0xC0, s4;
	v8 =	vor.u32 s9, v7;
	v10 =	vor.u32 s25, v7;
	v3 =	vshrl.u32 v3, $0x3  }
0xb: {  	s12 =	simm.s32 $0x180;
	p0 =	por $0x0, $0x0;
	s19 =	sor.u32 $0x70, s4;
	v14 =	vor.u32 s26, v7;
	v6 =	vmul.u32 $0xFA, v3;
	v3 =	vshrl.u32 v5, $0x3  }
0xc: {  	[smem:$0x7FF] =	sst s3;
	s5 =	ssub.s32 $0x2, s5;
	s20 =	sor.u32 $0x80, s4;
	v5 =	vshrl.u32 v8, $0x3;
	v11 =	vmul.u32 $0xFA, v3;
	v3 =	vor.u32 s19, v7  }
0xd: {  	s7 =	sadd.s32 $0x600, s7;
	s10 =	sshrl.u32 s5, $0x1;
	s29 =	sor.u32 $0xE0, s4;
	v9 =	vmul.u32 $0xFA, v5;
	v5 =	vor.u32 s20, v7;
	v3 =	vshrl.u32 v3, $0x3  }
0xe: {  	s21 =	sor.u32 $0x90, s4;
	s22 =	ssub.s32 s5, s10;
	s24 =	sor.u32 $0xA0, s4;
	v16 =	vor.u32 s29, v7;
	v13 =	vmul.u32 $0xFA, v3;
	v3 =	vshrl.u32 v5, $0x3  }
0xf: {  	s23 =	sshrl.u32 s4, $0x3;
	s11 =	sor.u32 $0xF0, s4;
	s14 =	smax.u32 s22, $0x1;
	v8 =	vor.u32 s21, v7;
	v12 =	vmul.u32 $0xFA, v3;
	v3 =	vor.u32 s24, v7  }
0x10: {  	s28 =	sor.u32 $0xD0, s4;
	s30 =	sshll.u32 s4, $0x4;
	v17 =	vor.u32 s11, v7;
	p1 =	sne.s32 s14, $0x1;
	v5 =	vshrl.u32 v8, $0x3;
	v3 =	vshrl.u32 v3, $0x3  }
.Ltmp0:
0x11: {  	s4 =	simm.s32 $0x2;
	s2 =	rddreg [dreg:$0x1];
	v8 =	vmul.u32 $0xFA, v3;
	v3 =	vshrl.u32 v10, $0x3;
	v10 =	vshrl.u32 v14, $0x3;
	(pc) =	sbr.rel @!p1 .LBB2_3-.Ltmp0, $4  }
0x12: {  	s10 =	simm.s32 $0x100;
	s1 =	rddreg [dreg:$0x3];
	_ =	strace $0x80000047;
	v0 =	vmul.u32 $0xFA, v0;
	v14 =	vmul.u32 $0xFA, v10;
	v10 =	vor.u32 s28, v7  }
0x13: {  	s13 =	sadd.s32 s6, s23;
	s6 =	sadd.s32 s7, s30;
	s31 =	sshll.u32 s20, $0x4;
	v17 =	vshrl.u32 v17, $0x3;
	v5 =	vmul.u32 $0xFA, v5;
	v10 =	vshrl.u32 v10, $0x3  }
0x14: {  	s9 =	simm.s32 $0x80;
	s8 =	simm.s32 $0x200;
	s11 =	simm.s32 $0x1;
	v3 =	vmul.u32 $0xFA, v3;
	v15 =	vmul.u32 $0xFA, v10;
	v10 =	vshrl.u32 v16, $0x3  }
0x15: {  	s5 =	sadd.s32 s7, s31;
	s7 =	simm.s32 $0x4200;
	s14 =	sadd.s32 $0xFFFFFFFF, s14;
	v7 =	vand.u32 $0x7, v7;
	v16 =	vmul.u32 $0xFA, v10;
	v10 =	vmul.u32 $0xFA, v17  }
0x16: {  	[tilespmem:s3], [sflag:$0x2] =	stream.linear.gather [hbm4b:s13+s3], $0x100, $0x38;
	[tilespmem:$0x8200] =	vst v63  }
0x17: {  	_ =	swait.ge [sflag:s4], $0x100  }
0x18: {  	[sflag:s4] =	ssyncset.done $0x0  }
0x19: {  	[sflag:s4] =	ssyncadd.s32 $0xFFFFFF00  }
0x1a: {  	v17 =	vld [tilespmem:$0xE0]  }
0x1b: {  	v18 =	vld [tilespmem:$0xD0]  }
0x1c: {  	v19 =	vld [tilespmem:$0x70]  }
0x1d: {  	v20 =	vld [tilespmem:$0x50]  }
0x1e: {  	v21 =	vld [tilespmem:$0xC0]  }
0x1f: {  	v22 =	vld [tilespmem:$0x20]  }
0x20: {  	v23 =	vld [tilespmem:$0x80]  }
0x21: {  	v24 =	vld [tilespmem:$0x60]  }
0x22: {  	v25 =	vld [tilespmem:$0x40]  }
0x23: {  	v27 =	vld [tilespmem:$0x90]  }
0x24: {  	v51 =	vld [tilespmem:$0xA0]  }
0x25: {  	v54 =	vld [tilespmem:$0xF0]  }
0x26: {  	v55 =	vld [tilespmem:$0x30]  }
0x27: {  	v58 =	vld [tilespmem:$0xB0];
	v17 =	vshra.s32 v17, $0x7  }
0x28: {  	v18 =	vshra.s32 v18, $0x7;
	v20 =	vshra.s32 v20, $0x7;
	v19 =	vshra.s32 v19, $0x7  }
0x29: {  	v21 =	vshra.s32 v21, $0x7;
	v23 =	vshra.s32 v23, $0x7;
	v22 =	vshra.s32 v22, $0x7  }
0x2a: {  	v25 =	vshra.s32 v25, $0x7;
	v24 =	vshra.s32 v24, $0x7;
	v56 =	vshra.s32 v27, $0x7  }
0x2b: {  	v57 =	vshra.s32 v51, $0x7;
	v60 =	vshra.s32 v54, $0x7;
	v61 =	vshra.s32 v55, $0x7  }
0x2c: {  	v26 =	vld [tilespmem:$0x10];
	v63 =	vshra.s32 v58, $0x7;
	v17 =	vadd.s32 v16, v17;
	v20 =	vadd.s32 v11, v20  }
0x2d: {  	v19 =	vadd.s32 v13, v19;
	v21 =	vadd.s32 v14, v21;
	v17 =	vshll.u32 v17, $0x3  }
0x2e: {  	v50 =	vadd.s32 v6, v25;
	v20 =	vshll.u32 v20, $0x3;
	v17 =	vor.u32 v7, v17  }
0x2f: {  	v24 =	vadd.s32 v9, v24;
	v19 =	vshll.u32 v19, $0x3;
	v20 =	vor.u32 v7, v20;
	[tilespmem:$0x1E0] =	vst v17  }
0x30: {  	v21 =	vshll.u32 v21, $0x3;
	v24 =	vshll.u32 v24, $0x3;
	v19 =	vor.u32 v7, v19;
	[tilespmem:$0x150] =	vst v20  }
0x31: {  	v52 =	vld [tilespmem:$0x0];
	v21 =	vor.u32 v7, v21;
	v24 =	vor.u32 v7, v24;
	[tilespmem:$0x170] =	vst v19;
	v19 =	vshra.s32 v26, $0x7  }
0x32: {  	v17 =	vadd.s32 v4, v22;
	v22 =	vshll.u32 v50, $0x3;
	[tilespmem:$0x1C0] =	vst v21;
	v19 =	vadd.s32 v2, v19  }
0x33: {  	v23 =	vadd.s32 v12, v23;
	[tilespmem:$0x160] =	vst v24;
	v22 =	vor.u32 v7, v22;
	v19 =	vshll.u32 v19, $0x3  }
0x34: {  	v59 =	vadd.s32 v8, v57;
	v53 =	vshll.u32 v23, $0x3;
	[tilespmem:$0x140] =	vst v22;
	v19 =	vor.u32 v7, v19  }
0x35: {  	v17 =	vshll.u32 v17, $0x3;
	v22 =	vor.u32 v7, v53;
	[tilespmem:$0x110] =	vst v19;
	v19 =	vadd.s32 v5, v56  }
0x36: {  	v20 =	vshra.s32 v52, $0x7;
	v17 =	vor.u32 v7, v17;
	[tilespmem:$0x180] =	vst v22;
	v19 =	vshll.u32 v19, $0x3  }
0x37: {  	v21 =	vshll.u32 v59, $0x3;
	v20 =	vadd.s32 v0, v20;
	[tilespmem:$0x120] =	vst v17;
	v17 =	vor.u32 v7, v19  }
0x38: {  	v62 =	vadd.s32 v1, v61;
	v20 =	vshll.u32 v20, $0x3;
	v19 =	vor.u32 v7, v21;
	[tilespmem:$0x190] =	vst v17  }
0x39: {  	p1 =	sne.s32 s14, $0x1;
	v20 =	vor.u32 v7, v20;
	v17 =	vadd.s32 v10, v60;
	[tilespmem:$0x1A0] =	vst v19;
	v19 =	vshll.u32 v62, $0x3  }
.Ltmp1:
0x3a: {  	v18 =	vadd.s32 v15, v18;
	[tilespmem:$0x100] =	vst v20;
	v17 =	vshll.u32 v17, $0x3;
	v19 =	vor.u32 v7, v19;
	(pc) =	sbr.rel @!p1 .LBB2_3-.Ltmp1, $4  }
0x3b: {  	v18 =	vshll.u32 v18, $0x3;
	v20 =	vadd.s32 v3, v63;
	v17 =	vor.u32 v7, v17;
	[tilespmem:$0x130] =	vst v19  }
0x3c: {  	[tilespmem:$0x1F0] =	vst v17;
	v17 =	vor.u32 v7, v18;
	v18 =	vshll.u32 v20, $0x3  }
0x3d: {  	v18 =	vor.u32 v7, v18;
	[tilespmem:$0x1D0] =	vst v17  }
0x3e: {  	s14 =	sadd.s32 $0xFFFFFFFF, s14;
	p0 =	por $0x1, $0x1;
	[tilespmem:$0x1B0] =	vst v18  }
.LBB2_2:
0x3f: {  	[tilespmem:s8], [sflag:$0x1] =	stream.indirect.gather [hbm4b:s2+s9], $0x80, s10, s9, $0xb8;
	[tilespmem:$0x8200] =	vst v63  }
0x40: {  	p1 =	sne.s32 s14, $0x1;
	s14 =	sadd.s32 $0xFFFFFFFF, s14  }
0x41: {  	[tilespmem:s7], [sflag:$0x1] =	stream.indirect.gather [hbm4b:s2+s9], $0x80, s12, s9, $0xb8;
	[tilespmem:$0x8200] =	vst v63  }
0x42: {  	_ =	swait.ge [sflag:s11], $0x4000  }
0x43: {  	[sflag:s11] =	ssyncset.done $0x0  }
0x44: {  	[sflag:s11] =	ssyncadd.s32 $0xFFFFC000  }
0x45: {  	[hbm4b:s6+s3] =	stream.linear.scatter [tilespmem:s8], [sflag:$0x2], $0x4000, $0x38;
	[tilespmem:$0x8200] =	vst v63  }
0x46: {  	_ =	swait.ge [sflag:s4], $0x4000  }
0x47: {  	[sflag:s4] =	ssyncset.done $0x0  }
0x48: {  	[sflag:s4] =	ssyncadd.s32 $0xFFFFC000  }
0x49: {  	_ =	swait.ge [sflag:s11], $0x4000  }
0x4a: {  	[sflag:s11] =	ssyncset.done $0x0  }
0x4b: {  	[sflag:s11] =	ssyncadd.s32 $0xFFFFC000  }
0x4c: {  	[hbm4b:s5+s3] =	stream.linear.scatter [tilespmem:s7], [sflag:$0x2], $0x4000, $0x38;
	[tilespmem:$0x8200] =	vst v63  }
0x4d: {  	_ =	swait.ge [sflag:s4], $0x4000  }
0x4e: {  	[sflag:s4] =	ssyncset.done $0x0  }
0x4f: {  	[sflag:s4] =	ssyncadd.s32 $0xFFFFC000  }
0x50: {  	[tilespmem:s3], [sflag:$0x2] =	stream.linear.gather [hbm4b:s13+s3], $0x100, $0x38;
	[tilespmem:$0x8200] =	vst v63  }
0x51: {  	_ =	swait.ge [sflag:s4], $0x100  }
0x52: {  	[sflag:s4] =	ssyncset.done $0x0  }
0x53: {  	[sflag:s4] =	ssyncadd.s32 $0xFFFFFF00  }
0x54: {  	v17 =	vld [tilespmem:$0xE0]  }
0x55: {  	v18 =	vld [tilespmem:$0xD0]  }
0x56: {  	v19 =	vld [tilespmem:$0x70]  }
0x57: {  	v20 =	vld [tilespmem:$0x50]  }
0x58: {  	v21 =	vld [tilespmem:$0xC0]  }
0x59: {  	v22 =	vld [tilespmem:$0x20];
	v17 =	vshra.s32 v17, $0x7  }
0x5a: {  	v23 =	vld [tilespmem:$0x80];
	v18 =	vshra.s32 v18, $0x7;
	v17 =	vadd.s32 v16, v17  }
0x5b: {  	v24 =	vld [tilespmem:$0x60];
	v18 =	vadd.s32 v15, v18;
	v17 =	vshll.u32 v17, $0x3  }
0x5c: {  	v25 =	vld [tilespmem:$0x40];
	v20 =	vshra.s32 v20, $0x7;
	v18 =	vshll.u32 v18, $0x3;
	v17 =	vor.u32 v7, v17  }
0x5d: {  	v19 =	vshra.s32 v19, $0x7;
	v20 =	vadd.s32 v11, v20;
	v21 =	vshra.s32 v21, $0x7  }
0x5e: {  	v19 =	vadd.s32 v13, v19;
	v20 =	vshll.u32 v20, $0x3;
	v21 =	vadd.s32 v14, v21;
	[tilespmem:$0x1E0] =	vst v17  }
0x5f: {  	v19 =	vshll.u32 v19, $0x3;
	v17 =	vld [tilespmem:$0x10];
	v20 =	vor.u32 v7, v20;
	v23 =	vshra.s32 v23, $0x7  }
0x60: {  	v19 =	vor.u32 v7, v19;
	v21 =	vshll.u32 v21, $0x3;
	[tilespmem:$0x150] =	vst v20;
	v20 =	vadd.s32 v12, v23  }
0x61: {  	v22 =	vshra.s32 v22, $0x7;
	v24 =	vshra.s32 v24, $0x7;
	v23 =	vshra.s32 v25, $0x7;
	[tilespmem:$0x170] =	vst v19;
	v19 =	vld [tilespmem:$0x90]  }
0x62: {  	v22 =	vadd.s32 v4, v22;
	v24 =	vadd.s32 v9, v24;
	v23 =	vadd.s32 v6, v23;
	v25 =	vld [tilespmem:$0xA0]  }
0x63: {  	v22 =	vshll.u32 v22, $0x3;
	v24 =	vshll.u32 v24, $0x3;
	v26 =	vld [tilespmem:$0x0];
	v23 =	vshll.u32 v23, $0x3  }
0x64: {  	v22 =	vor.u32 v7, v22;
	v17 =	vshra.s32 v17, $0x7;
	v27 =	vld [tilespmem:$0x30];
	v23 =	vor.u32 v7, v23  }
0x65: {  	v21 =	vor.u32 v7, v21;
	v20 =	vshll.u32 v20, $0x3;
	v17 =	vadd.s32 v2, v17;
	[tilespmem:$0x140] =	vst v23;
	v23 =	vld [tilespmem:$0xF0]  }
0x66: {  	v20 =	vor.u32 v7, v20;
	v24 =	vor.u32 v7, v24;
	v17 =	vshll.u32 v17, $0x3;
	v28 =	vld [tilespmem:$0xB0];
	[tilespmem:$0x1C0] =	vst v21  }
0x67: {  	v19 =	vshra.s32 v19, $0x7;
	v17 =	vor.u32 v7, v17;
	[tilespmem:$0x180] =	vst v20;
	v20 =	vshra.s32 v25, $0x7  }
0x68: {  	v21 =	vshra.s32 v26, $0x7;
	[tilespmem:$0x110] =	vst v17;
	v17 =	vadd.s32 v5, v19;
	v19 =	vadd.s32 v8, v20  }
0x69: {  	v20 =	vadd.s32 v0, v21;
	[tilespmem:$0x160] =	vst v24;
	v17 =	vshll.u32 v17, $0x3;
	v19 =	vshll.u32 v19, $0x3  }
0x6a: {  	[tilespmem:$0x120] =	vst v22;
	v17 =	vor.u32 v7, v17;
	v19 =	vor.u32 v7, v19;
	v21 =	vshra.s32 v23, $0x7  }
0x6b: {  	v20 =	vshll.u32 v20, $0x3;
	v22 =	vshra.s32 v27, $0x7;
	[tilespmem:$0x190] =	vst v17;
	v17 =	vadd.s32 v10, v21  }
0x6c: {  	v20 =	vor.u32 v7, v20;
	v21 =	vadd.s32 v1, v22;
	[tilespmem:$0x1A0] =	vst v19;
	v17 =	vshll.u32 v17, $0x3  }
.Ltmp2:
0x6d: {  	v19 =	vshll.u32 v21, $0x3;
	[tilespmem:$0x100] =	vst v20;
	v20 =	vshra.s32 v28, $0x7;
	v17 =	vor.u32 v7, v17;
	(pc) =	sbr.rel @p1 .LBB2_2-.Ltmp2, $4  }
0x6e: {  	v18 =	vor.u32 v7, v18;
	v19 =	vor.u32 v7, v19;
	v20 =	vadd.s32 v3, v20;
	[tilespmem:$0x1F0] =	vst v17  }
0x6f: {  	[tilespmem:$0x130] =	vst v19;
	v17 =	vshll.u32 v20, $0x3  }
0x70: {  	v17 =	vor.u32 v7, v17;
	[tilespmem:$0x1D0] =	vst v18  }
0x71: {  	[tilespmem:$0x1B0] =	vst v17  }
.LBB2_3:
0x72: {  	[tilespmem:s8], [sflag:$0x1] =	stream.indirect.gather @p0 [hbm4b:s2+s9], $0x80, s10, s9, $0xb8;
	[tilespmem:$0x8200] =	vst v63  }
0x73: {  	_ = 	snop  }
0x74: {  	[tilespmem:s7], [sflag:$0x1] =	stream.indirect.gather @p0 [hbm4b:s2+s9], $0x80, s12, s9, $0xb8;
	[tilespmem:$0x8200] =	vst v63  }
0x75: {  	_ =	swait.ge @p0 [sflag:s11], $0x4000  }
0x76: {  	[sflag:s11] =	ssyncset.done @p0 $0x0  }
0x77: {  	[sflag:s11] =	ssyncadd.s32 @p0 $0xFFFFC000  }
0x78: {  	[hbm4b:s6+s3] =	stream.linear.scatter @p0 [tilespmem:s8], [sflag:$0x2], $0x4000, $0x38;
	[tilespmem:$0x8200] =	vst v63  }
0x79: {  	_ =	swait.ge @p0 [sflag:s4], $0x4000  }
0x7a: {  	[sflag:s4] =	ssyncset.done @p0 $0x0  }
0x7b: {  	[sflag:s4] =	ssyncadd.s32 @p0 $0xFFFFC000  }
0x7c: {  	_ =	swait.ge @p0 [sflag:s11], $0x4000  }
0x7d: {  	[sflag:s11] =	ssyncset.done @p0 $0x0  }
0x7e: {  	[sflag:s11] =	ssyncadd.s32 @p0 $0xFFFFC000  }
0x7f: {  	[hbm4b:s5+s3] =	stream.linear.scatter @p0 [tilespmem:s7], [sflag:$0x2], $0x4000, $0x38;
	[tilespmem:$0x8200] =	vst v63  }
0x80: {  	_ =	swait.ge @p0 [sflag:s4], $0x4000  }
0x81: {  	[sflag:s4] =	ssyncset.done @p0 $0x0  }
0x82: {  	[sflag:s4] =	ssyncadd.s32 @p0 $0xFFFFC000  }
0x83: {  	[tilespmem:s3], [sflag:$0x2] =	stream.linear.gather [hbm4b:s13+s3], $0x100, $0x38;
	[tilespmem:$0x8200] =	vst v63  }
0x84: {  	_ =	swait.ge [sflag:s4], $0x100  }
0x85: {  	[sflag:s4] =	ssyncset.done $0x0  }
0x86: {  	[sflag:s4] =	ssyncadd.s32 $0xFFFFFF00  }
0x87: {  	v17 =	vld [tilespmem:$0xE0]  }
0x88: {  	v18 =	vld [tilespmem:$0xD0]  }
0x89: {  	v19 =	vld [tilespmem:$0x70]  }
0x8a: {  	v20 =	vld [tilespmem:$0x50]  }
0x8b: {  	v21 =	vld [tilespmem:$0xC0]  }
0x8c: {  	v22 =	vld [tilespmem:$0x20]  }
0x8d: {  	v23 =	vld [tilespmem:$0x80]  }
0x8e: {  	v36 =	vld [tilespmem:$0x60]  }
0x8f: {  	v39 =	vld [tilespmem:$0x10]  }
0x90: {  	v42 =	vld [tilespmem:$0x90]  }
0x91: {  	v43 =	vld [tilespmem:$0xA0]  }
0x92: {  	v48 =	vld [tilespmem:$0xF0]  }
0x93: {  	v49 =	vld [tilespmem:$0x30]  }
0x94: {  	v52 =	vld [tilespmem:$0xB0];
	v17 =	vshra.s32 v17, $0x7  }
0x95: {  	v35 =	vshra.s32 v18, $0x7;
	v20 =	vshra.s32 v20, $0x7;
	v19 =	vshra.s32 v19, $0x7  }
0x96: {  	v38 =	vshra.s32 v21, $0x7;
	v40 =	vshra.s32 v23, $0x7;
	v41 =	vshra.s32 v22, $0x7  }
0x97: {  	v37 =	vld [tilespmem:$0x40];
	v18 =	vshra.s32 v36, $0x7;
	v45 =	vshra.s32 v39, $0x7;
	v50 =	vshra.s32 v42, $0x7  }
0x98: {  	v51 =	vshra.s32 v43, $0x7;
	v56 =	vshra.s32 v48, $0x7;
	v57 =	vshra.s32 v49, $0x7  }
0x99: {  	v60 =	vshra.s32 v52, $0x7;
	v16 =	vadd.s32 v16, v17;
	v15 =	vadd.s32 v15, v35  }
0x9a: {  	v11 =	vadd.s32 v11, v20;
	v13 =	vadd.s32 v13, v19;
	v16 =	vshll.u32 v16, $0x3  }
0x9b: {  	v14 =	vadd.s32 v14, v38;
	v11 =	vshll.u32 v11, $0x3;
	v16 =	vor.u32 v7, v16  }
0x9c: {  	v17 =	vshra.s32 v37, $0x7;
	v13 =	vshll.u32 v13, $0x3;
	v11 =	vor.u32 v7, v11;
	[tilespmem:$0x1E0] =	vst v16  }
0x9d: {  	v2 =	vadd.s32 v2, v45;
	v14 =	vshll.u32 v14, $0x3;
	v13 =	vor.u32 v7, v13;
	[tilespmem:$0x150] =	vst v11  }
0x9e: {  	v9 =	vadd.s32 v9, v18;
	v2 =	vshll.u32 v2, $0x3;
	v47 =	vor.u32 v7, v14;
	[tilespmem:$0x170] =	vst v13  }
0x9f: {  	v44 =	vld [tilespmem:$0x0];
	v4 =	vadd.s32 v4, v41;
	v9 =	vshll.u32 v9, $0x3;
	v2 =	vor.u32 v7, v2;
	[tilespmem:$0x1C0] =	vst v47  }
0xa0: {  	v54 =	vadd.s32 v8, v51;
	v4 =	vshll.u32 v4, $0x3;
	v9 =	vor.u32 v7, v9;
	[tilespmem:$0x110] =	vst v2  }
0xa1: {  	v53 =	vadd.s32 v5, v50;
	v5 =	vshll.u32 v54, $0x3;
	v4 =	vor.u32 v7, v4;
	[tilespmem:$0x160] =	vst v9  }
0xa2: {  	v6 =	vadd.s32 v6, v17;
	v61 =	vshll.u32 v15, $0x3;
	v55 =	vor.u32 v7, v5;
	[tilespmem:$0x120] =	vst v4  }
0xa3: {  	v12 =	vadd.s32 v12, v40;
	v6 =	vshll.u32 v6, $0x3;
	v62 =	vor.u32 v7, v61;
	[tilespmem:$0x1A0] =	vst v55  }
0xa4: {  	v46 =	vshll.u32 v12, $0x3;
	v6 =	vor.u32 v7, v6;
	v11 =	vshra.s32 v44, $0x7;
	[tilespmem:$0x1D0] =	vst v62  }
0xa5: {  	v2 =	vshll.u32 v53, $0x3;
	[tilespmem:$0x140] =	vst v6;
	v6 =	vor.u32 v7, v46;
	v0 =	vadd.s32 v0, v11  }
0xa6: {  	v58 =	vadd.s32 v10, v56;
	v2 =	vor.u32 v7, v2;
	[tilespmem:$0x180] =	vst v6;
	v0 =	vshll.u32 v0, $0x3  }
0xa7: {  	v1 =	vadd.s32 v1, v57;
	[tilespmem:$0x190] =	vst v2;
	v2 =	vshll.u32 v58, $0x3;
	v0 =	vor.u32 v7, v0  }
0xa8: {  	v59 =	vshll.u32 v1, $0x3;
	v1 =	vadd.s32 v3, v60;
	v2 =	vor.u32 v7, v2;
	[tilespmem:$0x100] =	vst v0  }
0xa9: {  	v63 =	vshll.u32 v1, $0x3;
	v0 =	vor.u32 v7, v59;
	[tilespmem:$0x1F0] =	vst v2  }
0xaa: {  	[tilespmem:$0x130] =	vst v0;
	v0 =	vor.u32 v7, v63  }
0xab: {  	[tilespmem:$0x1B0] =	vst v0  }
0xac: {  	[tilespmem:s8], [sflag:$0x1] =	stream.indirect.gather [hbm4b:s2+s9], $0x80, s10, s9, $0xb8;
	[tilespmem:$0x8200] =	vst v63  }
0xad: {  	_ = 	snop  }
0xae: {  	[tilespmem:s7], [sflag:$0x1] =	stream.indirect.gather [hbm4b:s2+s9], $0x80, s12, s9, $0xb8;
	[tilespmem:$0x8200] =	vst v63  }
0xaf: {  	_ =	swait.ge [sflag:s11], $0x4000  }
0xb0: {  	[sflag:s11] =	ssyncset.done $0x0  }
0xb1: {  	[sflag:s11] =	ssyncadd.s32 $0xFFFFC000  }
0xb2: {  	[hbm4b:s6+s3] =	stream.linear.scatter [tilespmem:s8], [sflag:$0x2], $0x4000, $0x38;
	[tilespmem:$0x8200] =	vst v63  }
0xb3: {  	_ =	swait.ge [sflag:s4], $0x4000  }
0xb4: {  	[sflag:s4] =	ssyncset.done $0x0  }
0xb5: {  	[sflag:s4] =	ssyncadd.s32 $0xFFFFC000  }
0xb6: {  	_ =	swait.ge [sflag:s11], $0x4000  }
0xb7: {  	[sflag:s11] =	ssyncset.done $0x0  }
0xb8: {  	[sflag:s11] =	ssyncadd.s32 $0xFFFFC000  }
0xb9: {  	[hbm4b:s5+s3] =	stream.linear.scatter [tilespmem:s7], [sflag:$0x2], $0x4000, $0x38;
	[tilespmem:$0x8200] =	vst v63  }
0xba: {  	_ =	swait.ge [sflag:s4], $0x4000  }
0xbb: {  	[sflag:s4] =	ssyncset.done $0x0  }
0xbc: {  	[sflag:s4] =	ssyncadd.s32 $0xFFFFC000  }
0xbd: {  	_ =	sfence.sel $0x180000  }
0xbe: {  	[bflag:$0x0] =	sbarrier.arrive $0xFFFF  }
0xbf: {  	p0 =	sne.s32 s0, $0x0;
	_ =	strace $0x90000047  }
0xc0: {  	s0 =	sadd.s32 @!p0 $0x100000, s1;
	[bflag:$0x2] =	sbarrier.arrive $0xFFFF  }
0xc1: {  	[sflag:s0] =	ssyncadd.tile.s32 @!p0 $0x1;
	_ =	shalt  }
.Lfunc_end2:
_tile_overlayer_lowered:
.L_overlay_start_2:
0xc2: {  	(tag) =	ssettag $0x2  }
0xc3: {  	s0 =	rddreg [dreg:$0x0];
	s2 =	stileid.u32  }
0xc4: {  	s1 =	rddreg [dreg:$0x1];
	p0 =	sne.s32 s2, $0x0  }
0xc5: {  	s3 =	rddreg [dreg:$0x2];
	[bflag:$0x3] =	sbarrier.arrive $0xFFFF;
	s2 =	simm.s32 @!p0 $0x1C02  }
0xc6: {  	[timem:s3], [sflag:s2] =	dma.local @!p0 [hbm:s0], s1  }
0xc7: {  	s0 =	simm.s32 @!p0 $0x2  }
0xc8: {  	_ =	swait.ge @!p0 [sflag:s0], s1  }
0xc9: {  	s1 =	ssub.s32 @!p0 $0x0, s1;
	[sflag:s0] =	ssyncset.done @!p0 $0x0  }
0xca: {  	[sflag:s0] =	ssyncadd.s32 @!p0 s1  }
0xcb: {  	[bflag:$0x3] =	sbarrier.arrive $0xFFFF  }
0xcc: {  	_ =	shalt  }

</sc_bundles>
